<compile_context>
chip_gen: v7x
topology: tpu7x:2x2x1
jax: 0.10.2.dev20260603
libtpu: 0.0.44.dev20260713+nightly
codegen_flags: <defaults>
</compile_context>

<pallas_src>
import jax
import jax.numpy as jnp
from jax import lax
from jax.experimental import pallas as pl
from jax.experimental.pallas import tpu as pltpu
from jax.experimental.pallas import tpu_sc as plsc

B = 8; M = 8; P = 256; D = 128; L = 96; H = 8; DFF = 256
DH = D // H
SEQ = 2
NTOT = B * P
TPC = 16
ROWS = NTOT // TPC


def _gcn_head_body(xe_ref, emb_ref, wc1_ref, y_ref, dinv_ref, n0_ref, n1_ref):
    f32 = jnp.float32
    xe = xe_ref[0]
    cd = xe - jnp.mean(xe, axis=1, keepdims=True)
    cov = jax.lax.dot_general(cd, cd, (((1,), (1,)), ((), ())),
                              preferred_element_type=f32) / f32(L - 1)
    rowid = jax.lax.broadcasted_iota(jnp.int32, (P, P), 0)
    colid = jax.lax.broadcasted_iota(jnp.int32, (P, P), 1)
    eyef = (rowid == colid).astype(f32)
    covd = cov * eyef
    var_r = jnp.sum(covd, axis=1, keepdims=True)
    var_c = jnp.sum(covd, axis=0, keepdims=True)
    rinv_r = jnp.where(var_r == 0, f32(1.0), jax.lax.rsqrt(var_r))
    rinv_c = jnp.where(var_c == 0, f32(1.0), jax.lax.rsqrt(var_c))
    corr = cov * (rinv_r * rinv_c)

    work = corr
    picks = []
    for _ in range(3):
        mn = jnp.min(work, axis=1, keepdims=True)
        amin = jnp.min(jnp.where(work == mn, colid, P), axis=1, keepdims=True)
        picks.append(amin)
        work = jnp.where(colid == amin, f32(3.0), work)
    n0, n1 = picks[1], picks[2]

    csum = (colid == n0).astype(f32) + (colid == n1).astype(f32)
    deg_lane = jnp.sum(csum, axis=0, keepdims=True) + f32(1.0)
    deg = jax.lax.dot_general(eyef, deg_lane, (((1,), (1,)), ((), ())),
                              preferred_element_type=f32)
    dinv = f32(1.0) / jnp.sqrt(deg)

    y_ref[0] = jnp.dot(emb_ref[0], wc1_ref[...],
                       preferred_element_type=f32) * dinv
    dinv_ref[0] = dinv
    n0_ref[0] = n0
    n1_ref[0] = n1


def _sc_scatter_body(y_hbm, idx_hbm, out_hbm, y_v, idx_v, acc_sh):
    c = lax.axis_index("c")
    s = lax.axis_index("s")
    base = s * ROWS
    pltpu.sync_copy(y_hbm.at[pl.ds(base, ROWS)], y_v)
    pltpu.sync_copy(y_v, acc_sh.at[pl.ds(base, ROWS)])
    pltpu.sync_copy(idx_hbm.at[c, s], idx_v)
    plsc.subcore_barrier()
    pltpu.sync_copy(y_v, acc_sh.at[idx_v], add=True)
    plsc.subcore_barrier()
    pltpu.sync_copy(acc_sh.at[pl.ds(base, ROWS)],
                    out_hbm.at[c, pl.ds(base, ROWS)])


def _sc_scatter(y, idx):
    mesh = plsc.VectorSubcoreMesh(core_axis_name="c", subcore_axis_name="s")
    return pl.kernel(
        _sc_scatter_body,
        mesh=mesh,
        out_type=jax.ShapeDtypeStruct((2, NTOT, D), jnp.float32),
        scratch_types=[
            pltpu.VMEM((ROWS, D), jnp.float32),
            pltpu.VMEM((ROWS,), jnp.int32),
            pltpu.VMEM_SHARED((NTOT, D), jnp.float32),
        ],
    )(y, idx)


def _gcn_mid_body(p0_ref, p1_ref, y1_ref, dinv_ref, bc1_ref, wc2_ref,
                  out_ref):
    f32 = jnp.float32
    dinv = dinv_ref[0]
    agg = p0_ref[0, 0] + p1_ref[0, 0] - y1_ref[0]
    x1 = jnp.maximum(agg * dinv + bc1_ref[...], f32(0.0))
    out_ref[0] = jnp.dot(x1, wc2_ref[...], preferred_element_type=f32) * dinv


def _xform_body(p0_ref, p1_ref, y2_ref, dinv_ref, bc2_ref, enc_ref, wqkv_ref,
                bqkv_ref, wo_ref, bo_ref,
                ln1g_ref, ln1b_ref, wf1_ref, bf1_ref, wf2_ref, bf2_ref,
                ln2g_ref, ln2b_ref, out_ref):
    f32 = jnp.float32
    agg = p0_ref[0, 0] + p1_ref[0, 0] - y2_ref[0]
    x2 = jnp.maximum(agg * dinv_ref[0] + bc2_ref[...], f32(0.0))
    x = (x2[None, :, :] + enc_ref[0]).reshape(SEQ * P, D)
    qkv = jnp.dot(x, wqkv_ref[...], preferred_element_type=f32) + bqkv_ref[...]
    q = qkv[:, :D]
    k = qkv[:, D:2 * D]
    v = qkv[:, 2 * D:3 * D]
    ones_blk = jnp.ones((P, DH), f32)
    parts = []
    for sq in range(SEQ):
        rows = slice(sq * P, (sq + 1) * P)
        heads = []
        for h in range(H):
            sl = slice(h * DH, (h + 1) * DH)
            s = jax.lax.dot_general(q[rows, sl], k[rows, sl],
                                    (((1,), (1,)), ((), ())),
                                    preferred_element_type=f32)
            e = jnp.exp(s)
            ve = jnp.concatenate([v[rows, sl], ones_blk], axis=1)
            oe = jnp.dot(e, ve, preferred_element_type=f32)
            heads.append(oe[:, :DH] / oe[:, DH:2 * DH])
        parts.append(jnp.concatenate(heads, axis=1))
    o = jnp.concatenate(parts, axis=0)
    a = jnp.dot(o, wo_ref[...], preferred_element_type=f32) + bo_ref[...]

    x = x + a
    m = jnp.mean(x, axis=1, keepdims=True)
    r = jax.lax.rsqrt(jnp.mean(x * x, axis=1, keepdims=True) - m * m
                      + f32(1e-5))
    x = (x - m) * r * ln1g_ref[...] + ln1b_ref[...]

    f = jnp.dot(x, wf1_ref[...], preferred_element_type=f32) + bf1_ref[...]
    f = jnp.maximum(f, f32(0.0))
    f = jnp.dot(f, wf2_ref[...], preferred_element_type=f32) + bf2_ref[...]

    x = x + f
    m = jnp.mean(x, axis=1, keepdims=True)
    r = jax.lax.rsqrt(jnp.mean(x * x, axis=1, keepdims=True) - m * m
                      + f32(1e-5))
    y = (x - m) * r * ln2g_ref[...] + ln2b_ref[...]
    out_ref[0] = y.reshape(SEQ, P, D)


def kernel(enc_out_vari_embeding, x_enc, enc_in, Wc1, bc1, Wc2, bc2, Wq, bq,
           Wk, bk, Wv, bv, Wo, bo, ln1_g, ln1_b, Wf1, bf1, Wf2, bf2,
           ln2_g, ln2_b):
    f32 = jnp.float32
    row1 = lambda a: a.reshape(1, -1)

    y1, dinv, n0, n1 = pl.pallas_call(
        _gcn_head_body,
        grid=(B,),
        in_specs=[
            pl.BlockSpec((1, P, L), lambda g: (g, 0, 0)),
            pl.BlockSpec((1, P, D), lambda g: (g, 0, 0)),
            pl.BlockSpec((D, D), lambda g: (0, 0)),
        ],
        out_specs=[
            pl.BlockSpec((1, P, D), lambda g: (g, 0, 0)),
            pl.BlockSpec((1, P, 1), lambda g: (g, 0, 0)),
            pl.BlockSpec((1, P, 1), lambda g: (g, 0, 0)),
            pl.BlockSpec((1, P, 1), lambda g: (g, 0, 0)),
        ],
        out_shape=[
            jax.ShapeDtypeStruct((B, P, D), f32),
            jax.ShapeDtypeStruct((B, P, 1), f32),
            jax.ShapeDtypeStruct((B, P, 1), jnp.int32),
            jax.ShapeDtypeStruct((B, P, 1), jnp.int32),
        ],
    )(x_enc, enc_out_vari_embeding, Wc1)

    nf = jnp.concatenate([n0, n1], axis=2).reshape(B, 2 * P)
    cols_glob = nf + (jnp.arange(B, dtype=jnp.int32) * P)[:, None]
    idx = cols_glob.reshape(B, 2, 2, ROWS).transpose(1, 0, 2, 3).reshape(
        2, TPC, ROWS).astype(jnp.int32)

    p1 = _sc_scatter(y1.reshape(NTOT, D), idx).reshape(2, B, P, D)

    y2 = pl.pallas_call(
        _gcn_mid_body,
        grid=(B,),
        in_specs=[
            pl.BlockSpec((1, 1, P, D), lambda g: (0, g, 0, 0)),
            pl.BlockSpec((1, 1, P, D), lambda g: (1, g, 0, 0)),
            pl.BlockSpec((1, P, D), lambda g: (g, 0, 0)),
            pl.BlockSpec((1, P, 1), lambda g: (g, 0, 0)),
            pl.BlockSpec((1, D), lambda g: (0, 0)),
            pl.BlockSpec((D, D), lambda g: (0, 0)),
        ],
        out_specs=pl.BlockSpec((1, P, D), lambda g: (g, 0, 0)),
        out_shape=jax.ShapeDtypeStruct((B, P, D), f32),
    )(p1, p1, y1, dinv, row1(bc1), Wc2)

    p2 = _sc_scatter(y2.reshape(NTOT, D), idx).reshape(2, B, P, D)

    scale = jnp.float32(1.0) / jnp.sqrt(jnp.float32(DH))
    Wqkv = jnp.concatenate([Wq * scale, Wk, Wv], axis=1)
    bqkv = jnp.concatenate([bq * scale, bk, bv])

    out = pl.pallas_call(
        _xform_body,
        grid=(B, M // SEQ),
        in_specs=[
            pl.BlockSpec((1, 1, P, D), lambda g, m: (0, g, 0, 0)),
            pl.BlockSpec((1, 1, P, D), lambda g, m: (1, g, 0, 0)),
            pl.BlockSpec((1, P, D), lambda g, m: (g, 0, 0)),
            pl.BlockSpec((1, P, 1), lambda g, m: (g, 0, 0)),
            pl.BlockSpec((1, D), lambda g, m: (0, 0)),
            pl.BlockSpec((1, SEQ, P, D), lambda g, m: (g, m, 0, 0)),
            pl.BlockSpec((D, 3 * D), lambda g, m: (0, 0)),
            pl.BlockSpec((1, 3 * D), lambda g, m: (0, 0)),
            pl.BlockSpec((D, D), lambda g, m: (0, 0)),
            pl.BlockSpec((1, D), lambda g, m: (0, 0)),
            pl.BlockSpec((1, D), lambda g, m: (0, 0)),
            pl.BlockSpec((1, D), lambda g, m: (0, 0)),
            pl.BlockSpec((D, DFF), lambda g, m: (0, 0)),
            pl.BlockSpec((1, DFF), lambda g, m: (0, 0)),
            pl.BlockSpec((DFF, D), lambda g, m: (0, 0)),
            pl.BlockSpec((1, D), lambda g, m: (0, 0)),
            pl.BlockSpec((1, D), lambda g, m: (0, 0)),
            pl.BlockSpec((1, D), lambda g, m: (0, 0)),
        ],
        out_specs=pl.BlockSpec((1, SEQ, P, D), lambda g, m: (g, m, 0, 0)),
        out_shape=jax.ShapeDtypeStruct((B, M, P, D), f32),
    )(p2, p2, y2, dinv, row1(bc2), enc_in, Wqkv, row1(bqkv), Wo, row1(bo),
      row1(ln1_g), row1(ln1_b), Wf1, row1(bf1),
      Wf2, row1(bf2), row1(ln2_g), row1(ln2_b))
    return out

# --- scband reference (transcript-rebuilt; emitter-appended) ---
"""Pipeline reference for scband-multi-layer-gcn-time-2078764171904 (READ-ONLY COPY).

The authoritative reference and input builder live on the scoring server;
editing this copy changes nothing except your own understanding.
"""

import jax, jax.numpy as jnp
import numpy as np

B = 8; M = 8; P = 256; D = 128; L = 96; H = 8; DFF = 256

def setup_inputs(seed: int = 0):
    key = jax.random.key(seed)
    ks = jax.random.split(key, 12)
    def g(k, shape, scale=1.0):
        return jax.random.normal(k, shape, dtype=jnp.float32) * scale
    s = 0.05
    inp = {}
    inp['enc_out_vari_embeding'] = g(ks[0], (B, P, D))
    inp['x_enc'] = g(ks[1], (B, P, L))
    inp['enc_in'] = g(ks[2], (B, M, P, D))
    inp['Wc1'] = g(ks[3], (D, D), s); inp['bc1'] = jnp.zeros((D,), jnp.float32)
    inp['Wc2'] = g(ks[4], (D, D), s); inp['bc2'] = jnp.zeros((D,), jnp.float32)
    inp['Wq'] = g(ks[5], (D, D), s); inp['bq'] = jnp.zeros((D,), jnp.float32)
    inp['Wk'] = g(ks[6], (D, D), s); inp['bk'] = jnp.zeros((D,), jnp.float32)
    inp['Wv'] = g(ks[7], (D, D), s); inp['bv'] = jnp.zeros((D,), jnp.float32)
    inp['Wo'] = g(ks[8], (D, D), s); inp['bo'] = jnp.zeros((D,), jnp.float32)
    inp['ln1_g'] = jnp.ones((D,), jnp.float32); inp['ln1_b'] = jnp.zeros((D,), jnp.float32)
    inp['Wf1'] = g(ks[9], (D, DFF), s); inp['bf1'] = jnp.zeros((DFF,), jnp.float32)
    inp['Wf2'] = g(ks[10], (DFF, D), s); inp['bf2'] = jnp.zeros((D,), jnp.float32)
    inp['ln2_g'] = jnp.ones((D,), jnp.float32); inp['ln2_b'] = jnp.zeros((D,), jnp.float32)
    return inp

def _layernorm(x, g, b):
    m = x.mean(-1, keepdims=True)
    v = ((x - m) ** 2).mean(-1, keepdims=True)
    return (x - m) / jnp.sqrt(v + 1e-5) * g + b

def _gcn_conv(x, row, col, W, b, N):
    loop = jnp.arange(N)
    r = jnp.concatenate([row, loop])
    c = jnp.concatenate([col, loop])
    ew = jnp.ones(r.shape[0], jnp.float32)
    deg = jnp.zeros((N,), jnp.float32).at[c].add(ew)
    dinv = jnp.where(deg > 0, 1.0 / jnp.sqrt(deg), 0.0)
    norm = dinv[r] * ew * dinv[c]
    xw = x @ W
    out = jnp.zeros_like(xw).at[c].add(norm[:, None] * xw[r])
    return out + b

def _mha(qx, kx, Wq, bq, Wk, bk, Wv, bv, Wo, bo, n_heads):
    Bq, S, Dm = qx.shape
    dh = Dm // n_heads
    q = (qx @ Wq + bq).reshape(Bq, S, n_heads, dh).transpose(0, 2, 1, 3)
    k = (kx @ Wk + bk).reshape(Bq, S, n_heads, dh).transpose(0, 2, 1, 3)
    v = (kx @ Wv + bv).reshape(Bq, S, n_heads, dh).transpose(0, 2, 1, 3)
    att = jax.nn.softmax(jnp.einsum('bhqd,bhkd->bhqk', q, k) / jnp.sqrt(jnp.float32(dh)), axis=-1)
    o = jnp.einsum('bhqk,bhkd->bhqd', att, v).transpose(0, 2, 1, 3).reshape(Bq, S, Dm)
    return o @ Wo + bo

def _forward(enc_out_vari_embeding, x_enc, enc_in, Wc1, bc1, Wc2, bc2, Wq, bq, Wk, bk, Wv, bv, Wo, bo, ln1_g, ln1_b, Wf1, bf1, Wf2, bf2, ln2_g, ln2_b):
    Bsz, Mv, Pn, Dm = enc_in.shape
    N = x_enc.shape[1]
    Ln = x_enc.shape[2]
    # person_correlation
    mean = x_enc.mean(axis=2, keepdims=True)
    cd = x_enc - mean
    cov = jnp.einsum('bnl,bml->bnm', cd, cd) / (Ln - 1)
    std = jnp.sqrt(jnp.diagonal(cov, axis1=-2, axis2=-1))
    std = jnp.where(std == 0, 1.0, std)
    corr = cov / (std[:, :, None] * std[:, None, :])
    # edge_index: k=2 is hardcoded in the original module; ascending argsort (faithful)
    k2 = 2
    neighbors = jnp.argsort(corr, axis=-1)[:, :, 1:k2 + 1]
    row = jnp.broadcast_to(jnp.tile(jnp.arange(N), k2)[None, :], (Bsz, N * k2))
    col = neighbors.reshape(Bsz, -1)
    # Batch.from_data_list: offset node ids per graph and concatenate
    off = (jnp.arange(Bsz) * N)[:, None]
    row_b = (row + off).reshape(-1)
    col_b = (col + off).reshape(-1)
    Ntot = Bsz * Pn
    x_raw = enc_out_vari_embeding.reshape(Ntot, Dm)
    x1 = jax.nn.relu(_gcn_conv(x_raw, row_b, col_b, Wc1, bc1, Ntot))
    x2 = jax.nn.relu(_gcn_conv(x1, row_b, col_b, Wc2, bc2, Ntot))
    x = x2.reshape(Bsz, Pn, Dm)[:, None, :, :] + enc_in
    x = x.reshape(Bsz * Mv, Pn, Dm)
    a = _mha(x, x, Wq, bq, Wk, bk, Wv, bv, Wo, bo, H)
    x = _layernorm(x + a, ln1_g, ln1_b)
    f = jax.nn.relu(x @ Wf1 + bf1) @ Wf2 + bf2
    x = _layernorm(x + f, ln2_g, ln2_b)
    return x.reshape(Bsz, Mv, Pn, Dm)

def reference(enc_out_vari_embeding, x_enc, enc_in, Wc1, bc1, Wc2, bc2, Wq, bq, Wk, bk, Wv, bv, Wo, bo, ln1_g, ln1_b, Wf1, bf1, Wf2, bf2, ln2_g, ln2_b):
    return _forward(enc_out_vari_embeding, x_enc, enc_in, Wc1, bc1, Wc2, bc2, Wq, bq, Wk, bk, Wv, bv, Wo, bo, ln1_g, ln1_b, Wf1, bf1, Wf2, bf2, ln2_g, ln2_b)

if __name__ == "__main__":
    import jax
    _d = setup_inputs()
    print(jax.jit(kernel)(*tuple(_d.values())))

</pallas_src>

<mosaic_0001>
#map = affine_map<(d0, d1) -> (0, 0)>
#map1 = affine_map<(d0, d1) -> (0, 0, 0)>
module attributes {stable_mosaic.version = 14 : i64} {
  func.func @_sc_scatter_body(%arg0: i32, %arg1: i32, %arg2: memref<2048x128xf32, #tpu.memory_space<hbm>>, %arg3: memref<2x16x128xi32, #tpu.memory_space<hbm>>, %arg4: memref<2x2048x128xf32, #tpu.memory_space<hbm>>, %arg5: memref<128x128xf32, #tpu.memory_space<vmem>>, %arg6: memref<128xi32, #tpu.memory_space<vmem>>, %arg7: memref<2048x128xf32, #tpu.memory_space<vmem_shared>>) attributes {dimension_semantics = [#tpu.dimension_semantics<core_parallel>, #tpu.dimension_semantics<subcore_parallel>], iteration_bounds = array<i64: 2, 16>, scalar_prefetch = 0 : i64, scratch_operands = 3 : i64, tpu.core_type = #tpu.core_type<sc_vector_subcore>, window_params = [{transform_indices = #map}, {transform_indices = #map1}, {transform_indices = #map1}]} {
    %mul3A = arith.constant 128 : i32
    %mul3A_0 = arith.muli %arg1, %mul3A : i32
    "tpu.region"() ({
      %run_scoped3A = tpu.sem_alloc : memref<!tpu.dma_semaphore, #tpu.memory_space<semaphore_mem>>
      %dma_start3A = arith.constant 0 : i32
      %dma_start3A_2 = tpu.memref_slice %arg2[%mul3A_0, %dma_start3A] : memref<2048x128xf32, #tpu.memory_space<hbm>> -> memref<128x128xf32, #tpu.memory_space<hbm>>
      %dma_start3A_3 = arith.constant 0 : i32
      %dma_start3A_4 = tpu.memref_slice %arg2[%mul3A_0, %dma_start3A_3] : memref<2048x128xf32, #tpu.memory_space<hbm>> -> memref<128x128xf32, #tpu.memory_space<hbm>>
      tpu.enqueue_dma source(%dma_start3A_4 : memref<128x128xf32, #tpu.memory_space<hbm>>) target(%arg5 : memref<128x128xf32, #tpu.memory_space<vmem>>) target_semaphore(%run_scoped3A : memref<!tpu.dma_semaphore, #tpu.memory_space<semaphore_mem>>)
      %dma_wait3A = arith.constant 0 : i32
      %dma_wait3A_5 = tpu.memref_slice %arg2[%mul3A_0, %dma_wait3A] : memref<2048x128xf32, #tpu.memory_space<hbm>> -> memref<128x128xf32, #tpu.memory_space<hbm>>
      %dma_wait3A_6 = arith.constant 0 : i32
      %dma_wait3A_7 = tpu.memref_slice %arg2[%mul3A_0, %dma_wait3A_6] : memref<2048x128xf32, #tpu.memory_space<hbm>> -> memref<128x128xf32, #tpu.memory_space<hbm>>
      tpu.wait_dma2 semaphore(%run_scoped3A : memref<!tpu.dma_semaphore, #tpu.memory_space<semaphore_mem>>) src(%dma_wait3A_7 : memref<128x128xf32, #tpu.memory_space<hbm>>) dst(%arg5 : memref<128x128xf32, #tpu.memory_space<vmem>>)
      tpu.yield
    }) : () -> ()
    "tpu.region"() ({
      %run_scoped3A = tpu.sem_alloc : memref<!tpu.dma_semaphore, #tpu.memory_space<semaphore_mem>>
      %dma_start3A = arith.constant 0 : i32
      %dma_start3A_2 = tpu.memref_slice %arg7[%mul3A_0, %dma_start3A] : memref<2048x128xf32, #tpu.memory_space<vmem_shared>> -> memref<128x128xf32, #tpu.memory_space<vmem_shared>>
      %dma_start3A_3 = arith.constant 0 : i32
      %dma_start3A_4 = tpu.memref_slice %arg7[%mul3A_0, %dma_start3A_3] : memref<2048x128xf32, #tpu.memory_space<vmem_shared>> -> memref<128x128xf32, #tpu.memory_space<vmem_shared>>
      tpu.enqueue_dma source(%arg5 : memref<128x128xf32, #tpu.memory_space<vmem>>) target(%dma_start3A_4 : memref<128x128xf32, #tpu.memory_space<vmem_shared>>) target_semaphore(%run_scoped3A : memref<!tpu.dma_semaphore, #tpu.memory_space<semaphore_mem>>)
      %dma_wait3A = arith.constant 0 : i32
      %dma_wait3A_5 = tpu.memref_slice %arg7[%mul3A_0, %dma_wait3A] : memref<2048x128xf32, #tpu.memory_space<vmem_shared>> -> memref<128x128xf32, #tpu.memory_space<vmem_shared>>
      %dma_wait3A_6 = arith.constant 0 : i32
      %dma_wait3A_7 = tpu.memref_slice %arg7[%mul3A_0, %dma_wait3A_6] : memref<2048x128xf32, #tpu.memory_space<vmem_shared>> -> memref<128x128xf32, #tpu.memory_space<vmem_shared>>
      tpu.wait_dma2 semaphore(%run_scoped3A : memref<!tpu.dma_semaphore, #tpu.memory_space<semaphore_mem>>) src(%arg5 : memref<128x128xf32, #tpu.memory_space<vmem>>) dst(%dma_wait3A_7 : memref<128x128xf32, #tpu.memory_space<vmem_shared>>)
      tpu.yield
    }) : () -> ()
    "tpu.region"() ({
      %run_scoped3A = tpu.sem_alloc : memref<!tpu.dma_semaphore, #tpu.memory_space<semaphore_mem>>
      %dma_start3A = arith.constant 0 : i32
      %dma_start3A_2 = tpu.memref_slice %arg3[%arg0, %arg1, %dma_start3A] : memref<2x16x128xi32, #tpu.memory_space<hbm>> -> memref<1x1x128xi32, #tpu.memory_space<hbm>>
      %dma_start3A_3 = tpu.memref_squeeze %dma_start3A_2 : memref<1x1x128xi32, #tpu.memory_space<hbm>> -> memref<128xi32, #tpu.memory_space<hbm>>
      %dma_start3A_4 = arith.constant 0 : i32
      %dma_start3A_5 = tpu.memref_slice %arg3[%arg0, %arg1, %dma_start3A_4] : memref<2x16x128xi32, #tpu.memory_space<hbm>> -> memref<1x1x128xi32, #tpu.memory_space<hbm>>
      %dma_start3A_6 = tpu.memref_squeeze %dma_start3A_5 : memref<1x1x128xi32, #tpu.memory_space<hbm>> -> memref<128xi32, #tpu.memory_space<hbm>>
      tpu.enqueue_dma source(%dma_start3A_6 : memref<128xi32, #tpu.memory_space<hbm>>) target(%arg6 : memref<128xi32, #tpu.memory_space<vmem>>) target_semaphore(%run_scoped3A : memref<!tpu.dma_semaphore, #tpu.memory_space<semaphore_mem>>)
      %dma_wait3A = arith.constant 0 : i32
      %dma_wait3A_7 = tpu.memref_slice %arg3[%arg0, %arg1, %dma_wait3A] : memref<2x16x128xi32, #tpu.memory_space<hbm>> -> memref<1x1x128xi32, #tpu.memory_space<hbm>>
      %dma_wait3A_8 = tpu.memref_squeeze %dma_wait3A_7 : memref<1x1x128xi32, #tpu.memory_space<hbm>> -> memref<128xi32, #tpu.memory_space<hbm>>
      %dma_wait3A_9 = arith.constant 0 : i32
      %dma_wait3A_10 = tpu.memref_slice %arg3[%arg0, %arg1, %dma_wait3A_9] : memref<2x16x128xi32, #tpu.memory_space<hbm>> -> memref<1x1x128xi32, #tpu.memory_space<hbm>>
      %dma_wait3A_11 = tpu.memref_squeeze %dma_wait3A_10 : memref<1x1x128xi32, #tpu.memory_space<hbm>> -> memref<128xi32, #tpu.memory_space<hbm>>
      tpu.wait_dma2 semaphore(%run_scoped3A : memref<!tpu.dma_semaphore, #tpu.memory_space<semaphore_mem>>) src(%dma_wait3A_11 : memref<128xi32, #tpu.memory_space<hbm>>) dst(%arg6 : memref<128xi32, #tpu.memory_space<vmem>>)
      tpu.yield
    }) : () -> ()
    %barrier3A = arith.constant 0 : index
    tpu.barrier barrier_id(%barrier3A)
    "tpu.region"() ({
      %run_scoped3A = tpu.sem_alloc : memref<!tpu.dma_semaphore, #tpu.memory_space<semaphore_mem>>
      %dma_start3A = arith.constant 0 : i32
      %dma_start3A_2 = arith.constant 0 : i32
      %dma_start3A_3 = tpu.memref_slice %arg7[%dma_start3A, %dma_start3A_2] : memref<2048x128xf32, #tpu.memory_space<vmem_shared>> -> memref<2048x128xf32, #tpu.memory_space<vmem_shared>>
      tpu.enqueue_indirect_dma source(%arg5 : memref<128x128xf32, #tpu.memory_space<vmem>>) target(%dma_start3A_3 : memref<2048x128xf32, #tpu.memory_space<vmem_shared>>) offsets(%arg6 : memref<128xi32, #tpu.memory_space<vmem>>) semaphore(%run_scoped3A : memref<!tpu.dma_semaphore, #tpu.memory_space<semaphore_mem>>) {add = true}
      %dma_wait3A = arith.constant 0 : i32
      %dma_wait3A_4 = arith.constant 0 : i32
      %dma_wait3A_5 = tpu.memref_slice %arg7[%dma_wait3A, %dma_wait3A_4] : memref<2048x128xf32, #tpu.memory_space<vmem_shared>> -> memref<2048x128xf32, #tpu.memory_space<vmem_shared>>
      tpu.wait_indirect_dma semaphore(%run_scoped3A : memref<!tpu.dma_semaphore, #tpu.memory_space<semaphore_mem>>) src(%arg5 : memref<128x128xf32, #tpu.memory_space<vmem>>) dst(%dma_wait3A_5 : memref<2048x128xf32, #tpu.memory_space<vmem_shared>>)
      tpu.yield
    }) : () -> ()
    %barrier3A_1 = arith.constant 0 : index
    tpu.barrier barrier_id(%barrier3A_1)
    "tpu.region"() ({
      %run_scoped3A = tpu.sem_alloc : memref<!tpu.dma_semaphore, #tpu.memory_space<semaphore_mem>>
      %dma_start3A = arith.constant 0 : i32
      %dma_start3A_2 = tpu.memref_slice %arg4[%arg0, %mul3A_0, %dma_start3A] : memref<2x2048x128xf32, #tpu.memory_space<hbm>> -> memref<1x128x128xf32, #tpu.memory_space<hbm>>
      %dma_start3A_3 = tpu.memref_squeeze %dma_start3A_2 : memref<1x128x128xf32, #tpu.memory_space<hbm>> -> memref<128x128xf32, #tpu.memory_space<hbm>>
      %dma_start3A_4 = arith.constant 0 : i32
      %dma_start3A_5 = tpu.memref_slice %arg7[%mul3A_0, %dma_start3A_4] : memref<2048x128xf32, #tpu.memory_space<vmem_shared>> -> memref<128x128xf32, #tpu.memory_space<vmem_shared>>
      tpu.enqueue_dma source(%dma_start3A_5 : memref<128x128xf32, #tpu.memory_space<vmem_shared>>) target(%dma_start3A_3 : memref<128x128xf32, #tpu.memory_space<hbm>>) target_semaphore(%run_scoped3A : memref<!tpu.dma_semaphore, #tpu.memory_space<semaphore_mem>>)
      %dma_wait3A = arith.constant 0 : i32
      %dma_wait3A_6 = tpu.memref_slice %arg4[%arg0, %mul3A_0, %dma_wait3A] : memref<2x2048x128xf32, #tpu.memory_space<hbm>> -> memref<1x128x128xf32, #tpu.memory_space<hbm>>
      %dma_wait3A_7 = tpu.memref_squeeze %dma_wait3A_6 : memref<1x128x128xf32, #tpu.memory_space<hbm>> -> memref<128x128xf32, #tpu.memory_space<hbm>>
      %dma_wait3A_8 = arith.constant 0 : i32
      %dma_wait3A_9 = tpu.memref_slice %arg7[%mul3A_0, %dma_wait3A_8] : memref<2048x128xf32, #tpu.memory_space<vmem_shared>> -> memref<128x128xf32, #tpu.memory_space<vmem_shared>>
      tpu.wait_dma2 semaphore(%run_scoped3A : memref<!tpu.dma_semaphore, #tpu.memory_space<semaphore_mem>>) src(%dma_wait3A_9 : memref<128x128xf32, #tpu.memory_space<vmem_shared>>) dst(%dma_wait3A_7 : memref<128x128xf32, #tpu.memory_space<hbm>>)
      tpu.yield
    }) : () -> ()
    return
  }
}

#map = affine_map<(d0, d1) -> (0, 0)>
#map1 = affine_map<(d0, d1) -> (0, 0, 0)>
module attributes {stable_mosaic.version = 14 : i64} {
  func.func @_sc_scatter_body(%arg0: i32, %arg1: i32, %arg2: memref<2048x128xf32, #tpu.memory_space<hbm>>, %arg3: memref<2x16x128xi32, #tpu.memory_space<hbm>>, %arg4: memref<2x2048x128xf32, #tpu.memory_space<hbm>>, %arg5: memref<128x128xf32, #tpu.memory_space<vmem>>, %arg6: memref<128xi32, #tpu.memory_space<vmem>>, %arg7: memref<2048x128xf32, #tpu.memory_space<vmem_shared>>) attributes {dimension_semantics = [#tpu.dimension_semantics<core_parallel>, #tpu.dimension_semantics<subcore_parallel>], iteration_bounds = array<i64: 2, 16>, scalar_prefetch = 0 : i64, scratch_operands = 3 : i64, tpu.core_type = #tpu.core_type<sc_vector_subcore>, window_params = [{transform_indices = #map}, {transform_indices = #map1}, {transform_indices = #map1}]} {
    %mul3A = arith.constant 128 : i32
    %mul3A_0 = arith.muli %arg1, %mul3A : i32
    "tpu.region"() ({
      %run_scoped3A = tpu.sem_alloc : memref<!tpu.dma_semaphore, #tpu.memory_space<semaphore_mem>>
      %dma_start3A = arith.constant 0 : i32
      %dma_start3A_2 = tpu.memref_slice %arg2[%mul3A_0, %dma_start3A] : memref<2048x128xf32, #tpu.memory_space<hbm>> -> memref<128x128xf32, #tpu.memory_space<hbm>>
      %dma_start3A_3 = arith.constant 0 : i32
      %dma_start3A_4 = tpu.memref_slice %arg2[%mul3A_0, %dma_start3A_3] : memref<2048x128xf32, #tpu.memory_space<hbm>> -> memref<128x128xf32, #tpu.memory_space<hbm>>
      tpu.enqueue_dma source(%dma_start3A_4 : memref<128x128xf32, #tpu.memory_space<hbm>>) target(%arg5 : memref<128x128xf32, #tpu.memory_space<vmem>>) target_semaphore(%run_scoped3A : memref<!tpu.dma_semaphore, #tpu.memory_space<semaphore_mem>>)
      %dma_wait3A = arith.constant 0 : i32
      %dma_wait3A_5 = tpu.memref_slice %arg2[%mul3A_0, %dma_wait3A] : memref<2048x128xf32, #tpu.memory_space<hbm>> -> memref<128x128xf32, #tpu.memory_space<hbm>>
      %dma_wait3A_6 = arith.constant 0 : i32
      %dma_wait3A_7 = tpu.memref_slice %arg2[%mul3A_0, %dma_wait3A_6] : memref<2048x128xf32, #tpu.memory_space<hbm>> -> memref<128x128xf32, #tpu.memory_space<hbm>>
      tpu.wait_dma2 semaphore(%run_scoped3A : memref<!tpu.dma_semaphore, #tpu.memory_space<semaphore_mem>>) src(%dma_wait3A_7 : memref<128x128xf32, #tpu.memory_space<hbm>>) dst(%arg5 : memref<128x128xf32, #tpu.memory_space<vmem>>)
      tpu.yield
    }) : () -> ()
    "tpu.region"() ({
      %run_scoped3A = tpu.sem_alloc : memref<!tpu.dma_semaphore, #tpu.memory_space<semaphore_mem>>
      %dma_start3A = arith.constant 0 : i32
      %dma_start3A_2 = tpu.memref_slice %arg7[%mul3A_0, %dma_start3A] : memref<2048x128xf32, #tpu.memory_space<vmem_shared>> -> memref<128x128xf32, #tpu.memory_space<vmem_shared>>
      %dma_start3A_3 = arith.constant 0 : i32
      %dma_start3A_4 = tpu.memref_slice %arg7[%mul3A_0, %dma_start3A_3] : memref<2048x128xf32, #tpu.memory_space<vmem_shared>> -> memref<128x128xf32, #tpu.memory_space<vmem_shared>>
      tpu.enqueue_dma source(%arg5 : memref<128x128xf32, #tpu.memory_space<vmem>>) target(%dma_start3A_4 : memref<128x128xf32, #tpu.memory_space<vmem_shared>>) target_semaphore(%run_scoped3A : memref<!tpu.dma_semaphore, #tpu.memory_space<semaphore_mem>>)
      %dma_wait3A = arith.constant 0 : i32
      %dma_wait3A_5 = tpu.memref_slice %arg7[%mul3A_0, %dma_wait3A] : memref<2048x128xf32, #tpu.memory_space<vmem_shared>> -> memref<128x128xf32, #tpu.memory_space<vmem_shared>>
      %dma_wait3A_6 = arith.constant 0 : i32
      %dma_wait3A_7 = tpu.memref_slice %arg7[%mul3A_0, %dma_wait3A_6] : memref<2048x128xf32, #tpu.memory_space<vmem_shared>> -> memref<128x128xf32, #tpu.memory_space<vmem_shared>>
      tpu.wait_dma2 semaphore(%run_scoped3A : memref<!tpu.dma_semaphore, #tpu.memory_space<semaphore_mem>>) src(%arg5 : memref<128x128xf32, #tpu.memory_space<vmem>>) dst(%dma_wait3A_7 : memref<128x128xf32, #tpu.memory_space<vmem_shared>>)
      tpu.yield
    }) : () -> ()
    "tpu.region"() ({
      %run_scoped3A = tpu.sem_alloc : memref<!tpu.dma_semaphore, #tpu.memory_space<semaphore_mem>>
      %dma_start3A = arith.constant 0 : i32
      %dma_start3A_2 = tpu.memref_slice %arg3[%arg0, %arg1, %dma_start3A] : memref<2x16x128xi32, #tpu.memory_space<hbm>> -> memref<1x1x128xi32, #tpu.memory_space<hbm>>
      %dma_start3A_3 = tpu.memref_squeeze %dma_start3A_2 : memref<1x1x128xi32, #tpu.memory_space<hbm>> -> memref<128xi32, #tpu.memory_space<hbm>>
      %dma_start3A_4 = arith.constant 0 : i32
      %dma_start3A_5 = tpu.memref_slice %arg3[%arg0, %arg1, %dma_start3A_4] : memref<2x16x128xi32, #tpu.memory_space<hbm>> -> memref<1x1x128xi32, #tpu.memory_space<hbm>>
      %dma_start3A_6 = tpu.memref_squeeze %dma_start3A_5 : memref<1x1x128xi32, #tpu.memory_space<hbm>> -> memref<128xi32, #tpu.memory_space<hbm>>
      tpu.enqueue_dma source(%dma_start3A_6 : memref<128xi32, #tpu.memory_space<hbm>>) target(%arg6 : memref<128xi32, #tpu.memory_space<vmem>>) target_semaphore(%run_scoped3A : memref<!tpu.dma_semaphore, #tpu.memory_space<semaphore_mem>>)
      %dma_wait3A = arith.constant 0 : i32
      %dma_wait3A_7 = tpu.memref_slice %arg3[%arg0, %arg1, %dma_wait3A] : memref<2x16x128xi32, #tpu.memory_space<hbm>> -> memref<1x1x128xi32, #tpu.memory_space<hbm>>
      %dma_wait3A_8 = tpu.memref_squeeze %dma_wait3A_7 : memref<1x1x128xi32, #tpu.memory_space<hbm>> -> memref<128xi32, #tpu.memory_space<hbm>>
      %dma_wait3A_9 = arith.constant 0 : i32
      %dma_wait3A_10 = tpu.memref_slice %arg3[%arg0, %arg1, %dma_wait3A_9] : memref<2x16x128xi32, #tpu.memory_space<hbm>> -> memref<1x1x128xi32, #tpu.memory_space<hbm>>
      %dma_wait3A_11 = tpu.memref_squeeze %dma_wait3A_10 : memref<1x1x128xi32, #tpu.memory_space<hbm>> -> memref<128xi32, #tpu.memory_space<hbm>>
      tpu.wait_dma2 semaphore(%run_scoped3A : memref<!tpu.dma_semaphore, #tpu.memory_space<semaphore_mem>>) src(%dma_wait3A_11 : memref<128xi32, #tpu.memory_space<hbm>>) dst(%arg6 : memref<128xi32, #tpu.memory_space<vmem>>)
      tpu.yield
    }) : () -> ()
    %barrier3A = arith.constant 0 : index
    tpu.barrier barrier_id(%barrier3A)
    "tpu.region"() ({
      %run_scoped3A = tpu.sem_alloc : memref<!tpu.dma_semaphore, #tpu.memory_space<semaphore_mem>>
      %dma_start3A = arith.constant 0 : i32
      %dma_start3A_2 = arith.constant 0 : i32
      %dma_start3A_3 = tpu.memref_slice %arg7[%dma_start3A, %dma_start3A_2] : memref<2048x128xf32, #tpu.memory_space<vmem_shared>> -> memref<2048x128xf32, #tpu.memory_space<vmem_shared>>
      tpu.enqueue_indirect_dma source(%arg5 : memref<128x128xf32, #tpu.memory_space<vmem>>) target(%dma_start3A_3 : memref<2048x128xf32, #tpu.memory_space<vmem_shared>>) offsets(%arg6 : memref<128xi32, #tpu.memory_space<vmem>>) semaphore(%run_scoped3A : memref<!tpu.dma_semaphore, #tpu.memory_space<semaphore_mem>>) {add = true}
      %dma_wait3A = arith.constant 0 : i32
      %dma_wait3A_4 = arith.constant 0 : i32
      %dma_wait3A_5 = tpu.memref_slice %arg7[%dma_wait3A, %dma_wait3A_4] : memref<2048x128xf32, #tpu.memory_space<vmem_shared>> -> memref<2048x128xf32, #tpu.memory_space<vmem_shared>>
      tpu.wait_indirect_dma semaphore(%run_scoped3A : memref<!tpu.dma_semaphore, #tpu.memory_space<semaphore_mem>>) src(%arg5 : memref<128x128xf32, #tpu.memory_space<vmem>>) dst(%dma_wait3A_5 : memref<2048x128xf32, #tpu.memory_space<vmem_shared>>)
      tpu.yield
    }) : () -> ()
    %barrier3A_1 = arith.constant 0 : index
    tpu.barrier barrier_id(%barrier3A_1)
    "tpu.region"() ({
      %run_scoped3A = tpu.sem_alloc : memref<!tpu.dma_semaphore, #tpu.memory_space<semaphore_mem>>
      %dma_start3A = arith.constant 0 : i32
      %dma_start3A_2 = tpu.memref_slice %arg4[%arg0, %mul3A_0, %dma_start3A] : memref<2x2048x128xf32, #tpu.memory_space<hbm>> -> memref<1x128x128xf32, #tpu.memory_space<hbm>>
      %dma_start3A_3 = tpu.memref_squeeze %dma_start3A_2 : memref<1x128x128xf32, #tpu.memory_space<hbm>> -> memref<128x128xf32, #tpu.memory_space<hbm>>
      %dma_start3A_4 = arith.constant 0 : i32
      %dma_start3A_5 = tpu.memref_slice %arg7[%mul3A_0, %dma_start3A_4] : memref<2048x128xf32, #tpu.memory_space<vmem_shared>> -> memref<128x128xf32, #tpu.memory_space<vmem_shared>>
      tpu.enqueue_dma source(%dma_start3A_5 : memref<128x128xf32, #tpu.memory_space<vmem_shared>>) target(%dma_start3A_3 : memref<128x128xf32, #tpu.memory_space<hbm>>) target_semaphore(%run_scoped3A : memref<!tpu.dma_semaphore, #tpu.memory_space<semaphore_mem>>)
      %dma_wait3A = arith.constant 0 : i32
      %dma_wait3A_6 = tpu.memref_slice %arg4[%arg0, %mul3A_0, %dma_wait3A] : memref<2x2048x128xf32, #tpu.memory_space<hbm>> -> memref<1x128x128xf32, #tpu.memory_space<hbm>>
      %dma_wait3A_7 = tpu.memref_squeeze %dma_wait3A_6 : memref<1x128x128xf32, #tpu.memory_space<hbm>> -> memref<128x128xf32, #tpu.memory_space<hbm>>
      %dma_wait3A_8 = arith.constant 0 : i32
      %dma_wait3A_9 = tpu.memref_slice %arg7[%mul3A_0, %dma_wait3A_8] : memref<2048x128xf32, #tpu.memory_space<vmem_shared>> -> memref<128x128xf32, #tpu.memory_space<vmem_shared>>
      tpu.wait_dma2 semaphore(%run_scoped3A : memref<!tpu.dma_semaphore, #tpu.memory_space<semaphore_mem>>) src(%dma_wait3A_9 : memref<128x128xf32, #tpu.memory_space<vmem_shared>>) dst(%dma_wait3A_7 : memref<128x128xf32, #tpu.memory_space<hbm>>)
      tpu.yield
    }) : () -> ()
    return
  }
}

module attributes {stable_mosaic.version = 14 : i64} {
  func.func @_gcn_head_body(%arg0: i32, %arg1: memref<1x256x96xf32, #tpu.memory_space<vmem>>, %arg2: memref<1x256x128xf32, #tpu.memory_space<vmem>>, %arg3: memref<128x128xf32, #tpu.memory_space<vmem>>, %arg4: memref<1x256x128xf32, #tpu.memory_space<vmem>>, %arg5: memref<1x256x1xf32, #tpu.memory_space<vmem>>, %arg6: memref<1x256x1xi32, #tpu.memory_space<vmem>>, %arg7: memref<1x256x1xi32, #tpu.memory_space<vmem>>) attributes {dimension_semantics = [#tpu.dimension_semantics<arbitrary>], iteration_bounds = array<i64: 8>, scalar_prefetch = 0 : i64, scratch_operands = 0 : i64, tpu.core_type = #tpu.core_type<tc>, window_params = [{transform_indices = @transform_0, window_bounds = array<i64: 1, 256, 96>}, {transform_indices = @transform_1, window_bounds = array<i64: 1, 256, 128>}, {pipeline_mode = #tpu.pipeline_mode<synchronous>, transform_indices = @transform_2, window_bounds = array<i64: 128, 128>}, {transform_indices = @transform_3, window_bounds = array<i64: 1, 256, 128>}, {transform_indices = @transform_4, window_bounds = array<i64: 1, 256, 1>}, {transform_indices = @transform_5, window_bounds = array<i64: 1, 256, 1>}, {transform_indices = @transform_6, window_bounds = array<i64: 1, 256, 1>}]} {
    %get3A = arith.constant 0 : index
    %get3A_0 = arith.constant 0 : index
    %get3A_1 = arith.constant 0 : index
    %get3A_2 = vector.load %arg1[%get3A, %get3A_0, %get3A_1] : memref<1x256x96xf32, #tpu.memory_space<vmem>>, vector<1x256x96xf32>
    %get3A_3 = vector.shape_cast %get3A_2 : vector<1x256x96xf32> to vector<256x96xf32>
    %reduce_sum3A = arith.constant dense<0.000000e+00> : vector<256xf32>
    %reduce_sum3A_4 = vector.multi_reduction <add>, %get3A_3, %reduce_sum3A [1] : vector<256x96xf32> to vector<256xf32>
    %broadcast_in_dim3A = vector.shape_cast %reduce_sum3A_4 : vector<256xf32> to vector<256x1xf32>
    %div3A = arith.constant 9.600000e+01 : f32
    %div3A_5 = vector.broadcast %div3A : f32 to vector<256x1xf32>
    %div3A_6 = arith.divf %broadcast_in_dim3A, %div3A_5 : vector<256x1xf32>
    %sub3A = vector.broadcast %div3A_6 : vector<256x1xf32> to vector<256x96xf32>
    %sub3A_7 = arith.subf %get3A_3, %sub3A : vector<256x96xf32>
    %dot_general3A = arith.constant dense<0.000000e+00> : vector<256x256xf32>
    %dot_general3A_8 = tpu.matmul %sub3A_7, %sub3A_7, %dot_general3A {dimension_numbers = #tpu.dot_dimension_numbers<[1], [1], [0], [0], [0, 0, 1, 0], [], []>, transpose_lhs_hint = false} : vector<256x96xf32>, vector<256x96xf32>, vector<256x256xf32> -> vector<256x256xf32>
    %div3A_9 = arith.constant 9.500000e+01 : f32
    %div3A_10 = vector.broadcast %div3A_9 : f32 to vector<256x256xf32>
    %div3A_11 = arith.divf %dot_general3A_8, %div3A_10 : vector<256x256xf32>
    %iota3A = tpu.iota {dimensions = array<i32: 0>} : vector<256x256xi32>
    %iota3A_12 = tpu.iota {dimensions = array<i32: 1>} : vector<256x256xi32>
    %eq3A = arith.cmpi eq, %iota3A, %iota3A_12 : vector<256x256xi32>
    %convert_element_type3A = arith.extui %eq3A : vector<256x256xi1> to vector<256x256xi32>
    %convert_element_type3A_13 = arith.sitofp %convert_element_type3A : vector<256x256xi32> to vector<256x256xf32>
    %mul3A = arith.mulf %div3A_11, %convert_element_type3A_13 : vector<256x256xf32>
    %reduce_sum3A_14 = arith.constant dense<0.000000e+00> : vector<256xf32>
    %reduce_sum3A_15 = vector.multi_reduction <add>, %mul3A, %reduce_sum3A_14 [1] : vector<256x256xf32> to vector<256xf32>
    %broadcast_in_dim3A_16 = vector.shape_cast %reduce_sum3A_15 : vector<256xf32> to vector<256x1xf32>
    %reduce_sum3A_17 = arith.constant dense<0.000000e+00> : vector<256xf32>
    %reduce_sum3A_18 = vector.multi_reduction <add>, %mul3A, %reduce_sum3A_17 [0] : vector<256x256xf32> to vector<256xf32>
    %broadcast_in_dim3A_19 = vector.shape_cast %reduce_sum3A_18 : vector<256xf32> to vector<1x256xf32>
    %eq3A_20 = arith.constant 0.000000e+00 : f32
    %eq3A_21 = vector.broadcast %eq3A_20 : f32 to vector<256x1xf32>
    %eq3A_22 = arith.cmpf oeq, %broadcast_in_dim3A_16, %eq3A_21 : vector<256x1xf32>
    %rsqrt3A = math.rsqrt %broadcast_in_dim3A_16 : vector<256x1xf32>
    %jit3A = arith.constant 1.000000e+00 : f32
    %broadcast_in_dim3A_23 = vector.broadcast %jit3A : f32 to vector<256x1xf32>
    %select_n3A = arith.select %eq3A_22, %broadcast_in_dim3A_23, %rsqrt3A : vector<256x1xi1>, vector<256x1xf32>
    %eq3A_24 = arith.constant 0.000000e+00 : f32
    %eq3A_25 = vector.broadcast %eq3A_24 : f32 to vector<1x256xf32>
    %eq3A_26 = arith.cmpf oeq, %broadcast_in_dim3A_19, %eq3A_25 : vector<1x256xf32>
    %rsqrt3A_27 = math.rsqrt %broadcast_in_dim3A_19 : vector<1x256xf32>
    %jit3A_28 = arith.constant 1.000000e+00 : f32
    %broadcast_in_dim3A_29 = vector.broadcast %jit3A_28 : f32 to vector<1x256xf32>
    %select_n3A_30 = arith.select %eq3A_26, %broadcast_in_dim3A_29, %rsqrt3A_27 : vector<1x256xi1>, vector<1x256xf32>
    %mul3A_31 = vector.broadcast %select_n3A : vector<256x1xf32> to vector<256x256xf32>
    %mul3A_32 = vector.broadcast %select_n3A_30 : vector<1x256xf32> to vector<256x256xf32>
    %mul3A_33 = arith.mulf %mul3A_31, %mul3A_32 : vector<256x256xf32>
    %mul3A_34 = arith.mulf %div3A_11, %mul3A_33 : vector<256x256xf32>
    %reduce_min3A = arith.constant dense<0x7F800000> : vector<256xf32>
    %reduce_min3A_35 = vector.multi_reduction <minimumf>, %mul3A_34, %reduce_min3A [1] : vector<256x256xf32> to vector<256xf32>
    %broadcast_in_dim3A_36 = vector.shape_cast %reduce_min3A_35 : vector<256xf32> to vector<256x1xf32>
    %eq3A_37 = vector.broadcast %broadcast_in_dim3A_36 : vector<256x1xf32> to vector<256x256xf32>
    %eq3A_38 = arith.cmpf oeq, %mul3A_34, %eq3A_37 : vector<256x256xf32>
    %jit3A_39 = arith.constant 256 : i32
    %broadcast_in_dim3A_40 = vector.broadcast %jit3A_39 : i32 to vector<256x256xi32>
    %select_n3A_41 = arith.select %eq3A_38, %iota3A_12, %broadcast_in_dim3A_40 : vector<256x256xi1>, vector<256x256xi32>
    %reduce_min3A_42 = arith.constant dense<2147483647> : vector<256xi32>
    %reduce_min3A_43 = vector.multi_reduction <minsi>, %select_n3A_41, %reduce_min3A_42 [1] : vector<256x256xi32> to vector<256xi32>
    %broadcast_in_dim3A_44 = vector.shape_cast %reduce_min3A_43 : vector<256xi32> to vector<256x1xi32>
    %eq3A_45 = vector.broadcast %broadcast_in_dim3A_44 : vector<256x1xi32> to vector<256x256xi32>
    %eq3A_46 = arith.cmpi eq, %iota3A_12, %eq3A_45 : vector<256x256xi32>
    %jit3A_47 = arith.constant 3.000000e+00 : f32
    %broadcast_in_dim3A_48 = vector.broadcast %jit3A_47 : f32 to vector<256x256xf32>
    %select_n3A_49 = arith.select %eq3A_46, %broadcast_in_dim3A_48, %mul3A_34 : vector<256x256xi1>, vector<256x256xf32>
    %reduce_min3A_50 = arith.constant dense<0x7F800000> : vector<256xf32>
    %reduce_min3A_51 = vector.multi_reduction <minimumf>, %select_n3A_49, %reduce_min3A_50 [1] : vector<256x256xf32> to vector<256xf32>
    %broadcast_in_dim3A_52 = vector.shape_cast %reduce_min3A_51 : vector<256xf32> to vector<256x1xf32>
    %eq3A_53 = vector.broadcast %broadcast_in_dim3A_52 : vector<256x1xf32> to vector<256x256xf32>
    %eq3A_54 = arith.cmpf oeq, %select_n3A_49, %eq3A_53 : vector<256x256xf32>
    %jit3A_55 = arith.constant 256 : i32
    %broadcast_in_dim3A_56 = vector.broadcast %jit3A_55 : i32 to vector<256x256xi32>
    %select_n3A_57 = arith.select %eq3A_54, %iota3A_12, %broadcast_in_dim3A_56 : vector<256x256xi1>, vector<256x256xi32>
    %reduce_min3A_58 = arith.constant dense<2147483647> : vector<256xi32>
    %reduce_min3A_59 = vector.multi_reduction <minsi>, %select_n3A_57, %reduce_min3A_58 [1] : vector<256x256xi32> to vector<256xi32>
    %broadcast_in_dim3A_60 = vector.shape_cast %reduce_min3A_59 : vector<256xi32> to vector<256x1xi32>
    %eq3A_61 = vector.broadcast %broadcast_in_dim3A_60 : vector<256x1xi32> to vector<256x256xi32>
    %eq3A_62 = arith.cmpi eq, %iota3A_12, %eq3A_61 : vector<256x256xi32>
    %jit3A_63 = arith.constant 3.000000e+00 : f32
    %broadcast_in_dim3A_64 = vector.broadcast %jit3A_63 : f32 to vector<256x256xf32>
    %select_n3A_65 = arith.select %eq3A_62, %broadcast_in_dim3A_64, %select_n3A_49 : vector<256x256xi1>, vector<256x256xf32>
    %reduce_min3A_66 = arith.constant dense<0x7F800000> : vector<256xf32>
    %reduce_min3A_67 = vector.multi_reduction <minimumf>, %select_n3A_65, %reduce_min3A_66 [1] : vector<256x256xf32> to vector<256xf32>
    %broadcast_in_dim3A_68 = vector.shape_cast %reduce_min3A_67 : vector<256xf32> to vector<256x1xf32>
    %eq3A_69 = vector.broadcast %broadcast_in_dim3A_68 : vector<256x1xf32> to vector<256x256xf32>
    %eq3A_70 = arith.cmpf oeq, %select_n3A_65, %eq3A_69 : vector<256x256xf32>
    %jit3A_71 = arith.constant 256 : i32
    %broadcast_in_dim3A_72 = vector.broadcast %jit3A_71 : i32 to vector<256x256xi32>
    %select_n3A_73 = arith.select %eq3A_70, %iota3A_12, %broadcast_in_dim3A_72 : vector<256x256xi1>, vector<256x256xi32>
    %reduce_min3A_74 = arith.constant dense<2147483647> : vector<256xi32>
    %reduce_min3A_75 = vector.multi_reduction <minsi>, %select_n3A_73, %reduce_min3A_74 [1] : vector<256x256xi32> to vector<256xi32>
    %broadcast_in_dim3A_76 = vector.shape_cast %reduce_min3A_75 : vector<256xi32> to vector<256x1xi32>
    %eq3A_77 = vector.broadcast %broadcast_in_dim3A_60 : vector<256x1xi32> to vector<256x256xi32>
    %eq3A_78 = arith.cmpi eq, %iota3A_12, %eq3A_77 : vector<256x256xi32>
    %convert_element_type3A_79 = arith.extui %eq3A_78 : vector<256x256xi1> to vector<256x256xi32>
    %convert_element_type3A_80 = arith.sitofp %convert_element_type3A_79 : vector<256x256xi32> to vector<256x256xf32>
    %eq3A_81 = vector.broadcast %broadcast_in_dim3A_76 : vector<256x1xi32> to vector<256x256xi32>
    %eq3A_82 = arith.cmpi eq, %iota3A_12, %eq3A_81 : vector<256x256xi32>
    %convert_element_type3A_83 = arith.extui %eq3A_82 : vector<256x256xi1> to vector<256x256xi32>
    %convert_element_type3A_84 = arith.sitofp %convert_element_type3A_83 : vector<256x256xi32> to vector<256x256xf32>
    %add3A = arith.addf %convert_element_type3A_80, %convert_element_type3A_84 : vector<256x256xf32>
    %reduce_sum3A_85 = arith.constant dense<0.000000e+00> : vector<256xf32>
    %reduce_sum3A_86 = vector.multi_reduction <add>, %add3A, %reduce_sum3A_85 [0] : vector<256x256xf32> to vector<256xf32>
    %broadcast_in_dim3A_87 = vector.shape_cast %reduce_sum3A_86 : vector<256xf32> to vector<1x256xf32>
    %add3A_88 = arith.constant 1.000000e+00 : f32
    %add3A_89 = vector.broadcast %add3A_88 : f32 to vector<1x256xf32>
    %add3A_90 = arith.addf %broadcast_in_dim3A_87, %add3A_89 : vector<1x256xf32>
    %dot_general3A_91 = arith.constant dense<0.000000e+00> : vector<256x1xf32>
    %dot_general3A_92 = tpu.matmul %convert_element_type3A_13, %add3A_90, %dot_general3A_91 {dimension_numbers = #tpu.dot_dimension_numbers<[1], [1], [0], [0], [0, 0, 1, 0], [], []>, transpose_lhs_hint = false} : vector<256x256xf32>, vector<1x256xf32>, vector<256x1xf32> -> vector<256x1xf32>
    %sqrt3A = math.sqrt %dot_general3A_92 : vector<256x1xf32>
    %div3A_93 = arith.constant 1.000000e+00 : f32
    %div3A_94 = vector.broadcast %div3A_93 : f32 to vector<256x1xf32>
    %div3A_95 = arith.divf %div3A_94, %sqrt3A : vector<256x1xf32>
    %get3A_96 = arith.constant 0 : index
    %get3A_97 = arith.constant 0 : index
    %get3A_98 = arith.constant 0 : index
    %get3A_99 = vector.load %arg2[%get3A_96, %get3A_97, %get3A_98] : memref<1x256x128xf32, #tpu.memory_space<vmem>>, vector<1x256x128xf32>
    %get3A_100 = vector.shape_cast %get3A_99 : vector<1x256x128xf32> to vector<256x128xf32>
    %get3A_101 = arith.constant 0 : index
    %get3A_102 = arith.constant 0 : index
    %get3A_103 = vector.load %arg3[%get3A_101, %get3A_102] : memref<128x128xf32, #tpu.memory_space<vmem>>, vector<128x128xf32>
    %dot_general3A_104 = arith.constant dense<0.000000e+00> : vector<256x128xf32>
    %dot_general3A_105 = tpu.matmul %get3A_100, %get3A_103, %dot_general3A_104 {dimension_numbers = #tpu.dot_dimension_numbers<[1], [0], [0], [1], [0, 0, 1, 1], [], []>, transpose_lhs_hint = false} : vector<256x128xf32>, vector<128x128xf32>, vector<256x128xf32> -> vector<256x128xf32>
    %mul3A_106 = vector.broadcast %div3A_95 : vector<256x1xf32> to vector<256x128xf32>
    %mul3A_107 = arith.mulf %dot_general3A_105, %mul3A_106 : vector<256x128xf32>
    %swap3A = arith.constant 0 : index
    %swap3A_108 = arith.constant 0 : index
    %swap3A_109 = arith.constant 0 : index
    %swap3A_110 = vector.load %arg4[%swap3A, %swap3A_108, %swap3A_109] : memref<1x256x128xf32, #tpu.memory_space<vmem>>, vector<1x256x128xf32>
    %swap3A_111 = vector.shape_cast %swap3A_110 : vector<1x256x128xf32> to vector<256x128xf32>
    %swap3A_112 = vector.shape_cast %mul3A_107 : vector<256x128xf32> to vector<1x256x128xf32>
    tpu.vector_store %arg4[%swap3A, %swap3A_108, %swap3A_109], %swap3A_112 {strides = array<i32>} : memref<1x256x128xf32, #tpu.memory_space<vmem>>, vector<1x256x128xf32>,
    %swap3A_113 = arith.constant 0 : index
    %swap3A_114 = arith.constant 0 : index
    %swap3A_115 = arith.constant 0 : index
    %swap3A_116 = vector.load %arg5[%swap3A_113, %swap3A_114, %swap3A_115] : memref<1x256x1xf32, #tpu.memory_space<vmem>>, vector<1x256x1xf32>
    %swap3A_117 = vector.shape_cast %swap3A_116 : vector<1x256x1xf32> to vector<256x1xf32>
    %swap3A_118 = vector.shape_cast %div3A_95 : vector<256x1xf32> to vector<1x256x1xf32>
    tpu.vector_store %arg5[%swap3A_113, %swap3A_114, %swap3A_115], %swap3A_118 {strides = array<i32>} : memref<1x256x1xf32, #tpu.memory_space<vmem>>, vector<1x256x1xf32>,
    %swap3A_119 = arith.constant 0 : index
    %swap3A_120 = arith.constant 0 : index
    %swap3A_121 = arith.constant 0 : index
    %swap3A_122 = vector.load %arg6[%swap3A_119, %swap3A_120, %swap3A_121] : memref<1x256x1xi32, #tpu.memory_space<vmem>>, vector<1x256x1xi32>
    %swap3A_123 = vector.shape_cast %swap3A_122 : vector<1x256x1xi32> to vector<256x1xi32>
    %swap3A_124 = vector.shape_cast %broadcast_in_dim3A_60 : vector<256x1xi32> to vector<1x256x1xi32>
    tpu.vector_store %arg6[%swap3A_119, %swap3A_120, %swap3A_121], %swap3A_124 {strides = array<i32>} : memref<1x256x1xi32, #tpu.memory_space<vmem>>, vector<1x256x1xi32>,
    %swap3A_125 = arith.constant 0 : index
    %swap3A_126 = arith.constant 0 : index
    %swap3A_127 = arith.constant 0 : index
    %swap3A_128 = vector.load %arg7[%swap3A_125, %swap3A_126, %swap3A_127] : memref<1x256x1xi32, #tpu.memory_space<vmem>>, vector<1x256x1xi32>
    %swap3A_129 = vector.shape_cast %swap3A_128 : vector<1x256x1xi32> to vector<256x1xi32>
    %swap3A_130 = vector.shape_cast %broadcast_in_dim3A_76 : vector<256x1xi32> to vector<1x256x1xi32>
    tpu.vector_store %arg7[%swap3A_125, %swap3A_126, %swap3A_127], %swap3A_130 {strides = array<i32>} : memref<1x256x1xi32, #tpu.memory_space<vmem>>, vector<1x256x1xi32>,
    return
  }
  func.func @transform_0(%arg0: i32) -> (i32, i32, i32) {
    %c0_i32 = arith.constant 0 : i32
    %c0_i32_0 = arith.constant 0 : i32
    %c0_i32_1 = arith.constant 0 : i32
    return %arg0, %c0_i32, %c0_i32_0 : i32, i32, i32
  }
  func.func @transform_1(%arg0: i32) -> (i32, i32, i32) {
    %c0_i32 = arith.constant 0 : i32
    %c0_i32_0 = arith.constant 0 : i32
    %c0_i32_1 = arith.constant 0 : i32
    return %arg0, %c0_i32, %c0_i32_0 : i32, i32, i32
  }
  func.func @transform_2(%arg0: i32) -> (i32, i32) {
    %c0_i32 = arith.constant 0 : i32
    %c0_i32_0 = arith.constant 0 : i32
    %c0_i32_1 = arith.constant 0 : i32
    return %c0_i32, %c0_i32_0 : i32, i32
  }
  func.func @transform_3(%arg0: i32) -> (i32, i32, i32) {
    %c0_i32 = arith.constant 0 : i32
    %c0_i32_0 = arith.constant 0 : i32
    %c0_i32_1 = arith.constant 0 : i32
    return %arg0, %c0_i32, %c0_i32_0 : i32, i32, i32
  }
  func.func @transform_4(%arg0: i32) -> (i32, i32, i32) {
    %c0_i32 = arith.constant 0 : i32
    %c0_i32_0 = arith.constant 0 : i32
    %c0_i32_1 = arith.constant 0 : i32
    return %arg0, %c0_i32, %c0_i32_0 : i32, i32, i32
  }
  func.func @transform_5(%arg0: i32) -> (i32, i32, i32) {
    %c0_i32 = arith.constant 0 : i32
    %c0_i32_0 = arith.constant 0 : i32
    %c0_i32_1 = arith.constant 0 : i32
    return %arg0, %c0_i32, %c0_i32_0 : i32, i32, i32
  }
  func.func @transform_6(%arg0: i32) -> (i32, i32, i32) {
    %c0_i32 = arith.constant 0 : i32
    %c0_i32_0 = arith.constant 0 : i32
    %c0_i32_1 = arith.constant 0 : i32
    return %arg0, %c0_i32, %c0_i32_0 : i32, i32, i32
  }
}

module attributes {stable_mosaic.version = 14 : i64} {
  func.func @_gcn_mid_body(%arg0: i32, %arg1: memref<1x1x256x128xf32, #tpu.memory_space<vmem>>, %arg2: memref<1x1x256x128xf32, #tpu.memory_space<vmem>>, %arg3: memref<1x256x128xf32, #tpu.memory_space<vmem>>, %arg4: memref<1x256x1xf32, #tpu.memory_space<vmem>>, %arg5: memref<1x128xf32, #tpu.memory_space<vmem>>, %arg6: memref<128x128xf32, #tpu.memory_space<vmem>>, %arg7: memref<1x256x128xf32, #tpu.memory_space<vmem>>) attributes {dimension_semantics = [#tpu.dimension_semantics<arbitrary>], iteration_bounds = array<i64: 8>, scalar_prefetch = 0 : i64, scratch_operands = 0 : i64, tpu.core_type = #tpu.core_type<tc>, window_params = [{transform_indices = @transform_0, window_bounds = array<i64: 1, 1, 256, 128>}, {transform_indices = @transform_1, window_bounds = array<i64: 1, 1, 256, 128>}, {transform_indices = @transform_2, window_bounds = array<i64: 1, 256, 128>}, {transform_indices = @transform_3, window_bounds = array<i64: 1, 256, 1>}, {pipeline_mode = #tpu.pipeline_mode<synchronous>, transform_indices = @transform_4, window_bounds = array<i64: 1, 128>}, {pipeline_mode = #tpu.pipeline_mode<synchronous>, transform_indices = @transform_5, window_bounds = array<i64: 128, 128>}, {transform_indices = @transform_6, window_bounds = array<i64: 1, 256, 128>}]} {
    %get3A = arith.constant 0 : index
    %get3A_0 = arith.constant 0 : index
    %get3A_1 = arith.constant 0 : index
    %get3A_2 = vector.load %arg4[%get3A, %get3A_0, %get3A_1] : memref<1x256x1xf32, #tpu.memory_space<vmem>>, vector<1x256x1xf32>
    %get3A_3 = vector.shape_cast %get3A_2 : vector<1x256x1xf32> to vector<256x1xf32>
    %get3A_4 = arith.constant 0 : index
    %get3A_5 = arith.constant 0 : index
    %get3A_6 = arith.constant 0 : index
    %get3A_7 = arith.constant 0 : index
    %get3A_8 = vector.load %arg1[%get3A_4, %get3A_5, %get3A_6, %get3A_7] : memref<1x1x256x128xf32, #tpu.memory_space<vmem>>, vector<1x1x256x128xf32>
    %get3A_9 = vector.shape_cast %get3A_8 : vector<1x1x256x128xf32> to vector<256x128xf32>
    %get3A_10 = arith.constant 0 : index
    %get3A_11 = arith.constant 0 : index
    %get3A_12 = arith.constant 0 : index
    %get3A_13 = arith.constant 0 : index
    %get3A_14 = vector.load %arg2[%get3A_10, %get3A_11, %get3A_12, %get3A_13] : memref<1x1x256x128xf32, #tpu.memory_space<vmem>>, vector<1x1x256x128xf32>
    %get3A_15 = vector.shape_cast %get3A_14 : vector<1x1x256x128xf32> to vector<256x128xf32>
    %add3A = arith.addf %get3A_9, %get3A_15 : vector<256x128xf32>
    %get3A_16 = arith.constant 0 : index
    %get3A_17 = arith.constant 0 : index
    %get3A_18 = arith.constant 0 : index
    %get3A_19 = vector.load %arg3[%get3A_16, %get3A_17, %get3A_18] : memref<1x256x128xf32, #tpu.memory_space<vmem>>, vector<1x256x128xf32>
    %get3A_20 = vector.shape_cast %get3A_19 : vector<1x256x128xf32> to vector<256x128xf32>
    %sub3A = arith.subf %add3A, %get3A_20 : vector<256x128xf32>
    %mul3A = vector.broadcast %get3A_3 : vector<256x1xf32> to vector<256x128xf32>
    %mul3A_21 = arith.mulf %sub3A, %mul3A : vector<256x128xf32>
    %get3A_22 = arith.constant 0 : index
    %get3A_23 = arith.constant 0 : index
    %get3A_24 = vector.load %arg5[%get3A_22, %get3A_23] : memref<1x128xf32, #tpu.memory_space<vmem>>, vector<1x128xf32>
    %add3A_25 = vector.broadcast %get3A_24 : vector<1x128xf32> to vector<256x128xf32>
    %add3A_26 = arith.addf %mul3A_21, %add3A_25 : vector<256x128xf32>
    %max3A = arith.constant 0.000000e+00 : f32
    %max3A_27 = vector.broadcast %max3A : f32 to vector<256x128xf32>
    %max3A_28 = arith.maximumf %add3A_26, %max3A_27 : vector<256x128xf32>
    %get3A_29 = arith.constant 0 : index
    %get3A_30 = arith.constant 0 : index
    %get3A_31 = vector.load %arg6[%get3A_29, %get3A_30] : memref<128x128xf32, #tpu.memory_space<vmem>>, vector<128x128xf32>
    %dot_general3A = arith.constant dense<0.000000e+00> : vector<256x128xf32>
    %dot_general3A_32 = tpu.matmul %max3A_28, %get3A_31, %dot_general3A {dimension_numbers = #tpu.dot_dimension_numbers<[1], [0], [0], [1], [0, 0, 1, 1], [], []>, transpose_lhs_hint = false} : vector<256x128xf32>, vector<128x128xf32>, vector<256x128xf32> -> vector<256x128xf32>
    %mul3A_33 = vector.broadcast %get3A_3 : vector<256x1xf32> to vector<256x128xf32>
    %mul3A_34 = arith.mulf %dot_general3A_32, %mul3A_33 : vector<256x128xf32>
    %swap3A = arith.constant 0 : index
    %swap3A_35 = arith.constant 0 : index
    %swap3A_36 = arith.constant 0 : index
    %swap3A_37 = vector.load %arg7[%swap3A, %swap3A_35, %swap3A_36] : memref<1x256x128xf32, #tpu.memory_space<vmem>>, vector<1x256x128xf32>
    %swap3A_38 = vector.shape_cast %swap3A_37 : vector<1x256x128xf32> to vector<256x128xf32>
    %swap3A_39 = vector.shape_cast %mul3A_34 : vector<256x128xf32> to vector<1x256x128xf32>
    tpu.vector_store %arg7[%swap3A, %swap3A_35, %swap3A_36], %swap3A_39 {strides = array<i32>} : memref<1x256x128xf32, #tpu.memory_space<vmem>>, vector<1x256x128xf32>,
    return
  }
  func.func @transform_0(%arg0: i32) -> (i32, i32, i32, i32) {
    %c0_i32 = arith.constant 0 : i32
    %c0_i32_0 = arith.constant 0 : i32
    %c0_i32_1 = arith.constant 0 : i32
    %c0_i32_2 = arith.constant 0 : i32
    return %c0_i32, %arg0, %c0_i32_0, %c0_i32_1 : i32, i32, i32, i32
  }
  func.func @transform_1(%arg0: i32) -> (i32, i32, i32, i32) {
    %c1_i32 = arith.constant 1 : i32
    %c0_i32 = arith.constant 0 : i32
    %c0_i32_0 = arith.constant 0 : i32
    %c0_i32_1 = arith.constant 0 : i32
    return %c1_i32, %arg0, %c0_i32, %c0_i32_0 : i32, i32, i32, i32
  }
  func.func @transform_2(%arg0: i32) -> (i32, i32, i32) {
    %c0_i32 = arith.constant 0 : i32
    %c0_i32_0 = arith.constant 0 : i32
    %c0_i32_1 = arith.constant 0 : i32
    return %arg0, %c0_i32, %c0_i32_0 : i32, i32, i32
  }
  func.func @transform_3(%arg0: i32) -> (i32, i32, i32) {
    %c0_i32 = arith.constant 0 : i32
    %c0_i32_0 = arith.constant 0 : i32
    %c0_i32_1 = arith.constant 0 : i32
    return %arg0, %c0_i32, %c0_i32_0 : i32, i32, i32
  }
  func.func @transform_4(%arg0: i32) -> (i32, i32) {
    %c0_i32 = arith.constant 0 : i32
    %c0_i32_0 = arith.constant 0 : i32
    %c0_i32_1 = arith.constant 0 : i32
    return %c0_i32, %c0_i32_0 : i32, i32
  }
  func.func @transform_5(%arg0: i32) -> (i32, i32) {
    %c0_i32 = arith.constant 0 : i32
    %c0_i32_0 = arith.constant 0 : i32
    %c0_i32_1 = arith.constant 0 : i32
    return %c0_i32, %c0_i32_0 : i32, i32
  }
  func.func @transform_6(%arg0: i32) -> (i32, i32, i32) {
    %c0_i32 = arith.constant 0 : i32
    %c0_i32_0 = arith.constant 0 : i32
    %c0_i32_1 = arith.constant 0 : i32
    return %arg0, %c0_i32, %c0_i32_0 : i32, i32, i32
  }
}

module attributes {stable_mosaic.version = 14 : i64} {
  func.func @_xform_body(%arg0: i32, %arg1: i32, %arg2: memref<1x1x256x128xf32, #tpu.memory_space<vmem>>, %arg3: memref<1x1x256x128xf32, #tpu.memory_space<vmem>>, %arg4: memref<1x256x128xf32, #tpu.memory_space<vmem>>, %arg5: memref<1x256x1xf32, #tpu.memory_space<vmem>>, %arg6: memref<1x128xf32, #tpu.memory_space<vmem>>, %arg7: memref<1x2x256x128xf32, #tpu.memory_space<vmem>>, %arg8: memref<128x384xf32, #tpu.memory_space<vmem>>, %arg9: memref<1x384xf32, #tpu.memory_space<vmem>>, %arg10: memref<128x128xf32, #tpu.memory_space<vmem>>, %arg11: memref<1x128xf32, #tpu.memory_space<vmem>>, %arg12: memref<1x128xf32, #tpu.memory_space<vmem>>, %arg13: memref<1x128xf32, #tpu.memory_space<vmem>>, %arg14: memref<128x256xf32, #tpu.memory_space<vmem>>, %arg15: memref<1x256xf32, #tpu.memory_space<vmem>>, %arg16: memref<256x128xf32, #tpu.memory_space<vmem>>, %arg17: memref<1x128xf32, #tpu.memory_space<vmem>>, %arg18: memref<1x128xf32, #tpu.memory_space<vmem>>, %arg19: memref<1x128xf32, #tpu.memory_space<vmem>>, %arg20: memref<1x2x256x128xf32, #tpu.memory_space<vmem>>) attributes {dimension_semantics = [#tpu.dimension_semantics<arbitrary>, #tpu.dimension_semantics<arbitrary>], iteration_bounds = array<i64: 8, 4>, scalar_prefetch = 0 : i64, scratch_operands = 0 : i64, tpu.core_type = #tpu.core_type<tc>, window_params = [{transform_indices = @transform_0, window_bounds = array<i64: 1, 1, 256, 128>}, {transform_indices = @transform_1, window_bounds = array<i64: 1, 1, 256, 128>}, {transform_indices = @transform_2, window_bounds = array<i64: 1, 256, 128>}, {transform_indices = @transform_3, window_bounds = array<i64: 1, 256, 1>}, {pipeline_mode = #tpu.pipeline_mode<synchronous>, transform_indices = @transform_4, window_bounds = array<i64: 1, 128>}, {transform_indices = @transform_5, window_bounds = array<i64: 1, 2, 256, 128>}, {pipeline_mode = #tpu.pipeline_mode<synchronous>, transform_indices = @transform_6, window_bounds = array<i64: 128, 384>}, {pipeline_mode = #tpu.pipeline_mode<synchronous>, transform_indices = @transform_7, window_bounds = array<i64: 1, 384>}, {pipeline_mode = #tpu.pipeline_mode<synchronous>, transform_indices = @transform_8, window_bounds = array<i64: 128, 128>}, {pipeline_mode = #tpu.pipeline_mode<synchronous>, transform_indices = @transform_9, window_bounds = array<i64: 1, 128>}, {pipeline_mode = #tpu.pipeline_mode<synchronous>, transform_indices = @transform_10, window_bounds = array<i64: 1, 128>}, {pipeline_mode = #tpu.pipeline_mode<synchronous>, transform_indices = @transform_11, window_bounds = array<i64: 1, 128>}, {pipeline_mode = #tpu.pipeline_mode<synchronous>, transform_indices = @transform_12, window_bounds = array<i64: 128, 256>}, {pipeline_mode = #tpu.pipeline_mode<synchronous>, transform_indices = @transform_13, window_bounds = array<i64: 1, 256>}, {pipeline_mode = #tpu.pipeline_mode<synchronous>, transform_indices = @transform_14, window_bounds = array<i64: 256, 128>}, {pipeline_mode = #tpu.pipeline_mode<synchronous>, transform_indices = @transform_15, window_bounds = array<i64: 1, 128>}, {pipeline_mode = #tpu.pipeline_mode<synchronous>, transform_indices = @transform_16, window_bounds = array<i64: 1, 128>}, {pipeline_mode = #tpu.pipeline_mode<synchronous>, transform_indices = @transform_17, window_bounds = array<i64: 1, 128>}, {transform_indices = @transform_18, window_bounds = array<i64: 1, 2, 256, 128>}]} {
    %get3A = arith.constant 0 : index
    %get3A_0 = arith.constant 0 : index
    %get3A_1 = arith.constant 0 : index
    %get3A_2 = arith.constant 0 : index
    %get3A_3 = vector.load %arg2[%get3A, %get3A_0, %get3A_1, %get3A_2] : memref<1x1x256x128xf32, #tpu.memory_space<vmem>>, vector<1x1x256x128xf32>
    %get3A_4 = vector.shape_cast %get3A_3 : vector<1x1x256x128xf32> to vector<256x128xf32>
    %get3A_5 = arith.constant 0 : index
    %get3A_6 = arith.constant 0 : index
    %get3A_7 = arith.constant 0 : index
    %get3A_8 = arith.constant 0 : index
    %get3A_9 = vector.load %arg3[%get3A_5, %get3A_6, %get3A_7, %get3A_8] : memref<1x1x256x128xf32, #tpu.memory_space<vmem>>, vector<1x1x256x128xf32>
    %get3A_10 = vector.shape_cast %get3A_9 : vector<1x1x256x128xf32> to vector<256x128xf32>
    %add3A = arith.addf %get3A_4, %get3A_10 : vector<256x128xf32>
    %get3A_11 = arith.constant 0 : index
    %get3A_12 = arith.constant 0 : index
    %get3A_13 = arith.constant 0 : index
    %get3A_14 = vector.load %arg4[%get3A_11, %get3A_12, %get3A_13] : memref<1x256x128xf32, #tpu.memory_space<vmem>>, vector<1x256x128xf32>
    %get3A_15 = vector.shape_cast %get3A_14 : vector<1x256x128xf32> to vector<256x128xf32>
    %sub3A = arith.subf %add3A, %get3A_15 : vector<256x128xf32>
    %get3A_16 = arith.constant 0 : index
    %get3A_17 = arith.constant 0 : index
    %get3A_18 = arith.constant 0 : index
    %get3A_19 = vector.load %arg5[%get3A_16, %get3A_17, %get3A_18] : memref<1x256x1xf32, #tpu.memory_space<vmem>>, vector<1x256x1xf32>
    %get3A_20 = vector.shape_cast %get3A_19 : vector<1x256x1xf32> to vector<256x1xf32>
    %mul3A = vector.broadcast %get3A_20 : vector<256x1xf32> to vector<256x128xf32>
    %mul3A_21 = arith.mulf %sub3A, %mul3A : vector<256x128xf32>
    %get3A_22 = arith.constant 0 : index
    %get3A_23 = arith.constant 0 : index
    %get3A_24 = vector.load %arg6[%get3A_22, %get3A_23] : memref<1x128xf32, #tpu.memory_space<vmem>>, vector<1x128xf32>
    %add3A_25 = vector.broadcast %get3A_24 : vector<1x128xf32> to vector<256x128xf32>
    %add3A_26 = arith.addf %mul3A_21, %add3A_25 : vector<256x128xf32>
    %max3A = arith.constant 0.000000e+00 : f32
    %max3A_27 = vector.broadcast %max3A : f32 to vector<256x128xf32>
    %max3A_28 = arith.maximumf %add3A_26, %max3A_27 : vector<256x128xf32>
    %broadcast_in_dim3A = vector.shape_cast %max3A_28 : vector<256x128xf32> to vector<1x256x128xf32>
    %get3A_29 = arith.constant 0 : index
    %get3A_30 = arith.constant 0 : index
    %get3A_31 = arith.constant 0 : index
    %get3A_32 = arith.constant 0 : index
    %get3A_33 = vector.load %arg7[%get3A_29, %get3A_30, %get3A_31, %get3A_32] : memref<1x2x256x128xf32, #tpu.memory_space<vmem>>, vector<1x2x256x128xf32>
    %get3A_34 = vector.shape_cast %get3A_33 : vector<1x2x256x128xf32> to vector<2x256x128xf32>
    %add3A_35 = vector.broadcast %broadcast_in_dim3A : vector<1x256x128xf32> to vector<2x256x128xf32>
    %add3A_36 = arith.addf %add3A_35, %get3A_34 : vector<2x256x128xf32>
    %reshape3A = vector.shape_cast %add3A_36 : vector<2x256x128xf32> to vector<512x128xf32>
    %get3A_37 = arith.constant 0 : index
    %get3A_38 = arith.constant 0 : index
    %get3A_39 = vector.load %arg8[%get3A_37, %get3A_38] : memref<128x384xf32, #tpu.memory_space<vmem>>, vector<128x384xf32>
    %dot_general3A = arith.constant dense<0.000000e+00> : vector<512x384xf32>
    %dot_general3A_40 = tpu.matmul %reshape3A, %get3A_39, %dot_general3A {dimension_numbers = #tpu.dot_dimension_numbers<[1], [0], [0], [1], [0, 0, 1, 1], [], []>, transpose_lhs_hint = false} : vector<512x128xf32>, vector<128x384xf32>, vector<512x384xf32> -> vector<512x384xf32>
    %get3A_41 = arith.constant 0 : index
    %get3A_42 = arith.constant 0 : index
    %get3A_43 = vector.load %arg9[%get3A_41, %get3A_42] : memref<1x384xf32, #tpu.memory_space<vmem>>, vector<1x384xf32>
    %add3A_44 = vector.broadcast %get3A_43 : vector<1x384xf32> to vector<512x384xf32>
    %add3A_45 = arith.addf %dot_general3A_40, %add3A_44 : vector<512x384xf32>
    %slice3A = vector.extract_strided_slice %add3A_45 {offsets = [0, 0], sizes = [512, 128], strides = [1, 1]} : vector<512x384xf32> to vector<512x128xf32>
    %slice3A_46 = vector.extract_strided_slice %add3A_45 {offsets = [0, 128], sizes = [512, 128], strides = [1, 1]} : vector<512x384xf32> to vector<512x128xf32>
    %slice3A_47 = vector.extract_strided_slice %add3A_45 {offsets = [0, 256], sizes = [512, 128], strides = [1, 1]} : vector<512x384xf32> to vector<512x128xf32>
    %broadcast_in_dim3A_48 = arith.constant 1.000000e+00 : f32
    %broadcast_in_dim3A_49 = vector.broadcast %broadcast_in_dim3A_48 : f32 to vector<256x16xf32>
    %slice3A_50 = vector.extract_strided_slice %slice3A {offsets = [0, 0], sizes = [256, 16], strides = [1, 1]} : vector<512x128xf32> to vector<256x16xf32>
    %slice3A_51 = vector.extract_strided_slice %slice3A_46 {offsets = [0, 0], sizes = [256, 16], strides = [1, 1]} : vector<512x128xf32> to vector<256x16xf32>
    %dot_general3A_52 = arith.constant dense<0.000000e+00> : vector<256x256xf32>
    %dot_general3A_53 = tpu.matmul %slice3A_50, %slice3A_51, %dot_general3A_52 {dimension_numbers = #tpu.dot_dimension_numbers<[1], [1], [0], [0], [0, 0, 1, 0], [], []>, transpose_lhs_hint = false} : vector<256x16xf32>, vector<256x16xf32>, vector<256x256xf32> -> vector<256x256xf32>
    %exp3A = math.exp %dot_general3A_53 : vector<256x256xf32>
    %slice3A_54 = vector.extract_strided_slice %slice3A_47 {offsets = [0, 0], sizes = [256, 16], strides = [1, 1]} : vector<512x128xf32> to vector<256x16xf32>
    %concatenate3A = tpu.concatenate %slice3A_54, %broadcast_in_dim3A_49 in 1 : vector<256x16xf32>, vector<256x16xf32> -> vector<256x32xf32>
    %dot_general3A_55 = arith.constant dense<0.000000e+00> : vector<256x32xf32>
    %dot_general3A_56 = tpu.matmul %exp3A, %concatenate3A, %dot_general3A_55 {dimension_numbers = #tpu.dot_dimension_numbers<[1], [0], [0], [1], [0, 0, 1, 1], [], []>, transpose_lhs_hint = false} : vector<256x256xf32>, vector<256x32xf32>, vector<256x32xf32> -> vector<256x32xf32>
    %slice3A_57 = vector.extract_strided_slice %dot_general3A_56 {offsets = [0, 0], sizes = [256, 16], strides = [1, 1]} : vector<256x32xf32> to vector<256x16xf32>
    %slice3A_58 = vector.extract_strided_slice %dot_general3A_56 {offsets = [0, 16], sizes = [256, 16], strides = [1, 1]} : vector<256x32xf32> to vector<256x16xf32>
    %div3A = arith.divf %slice3A_57, %slice3A_58 : vector<256x16xf32>
    %slice3A_59 = vector.extract_strided_slice %slice3A {offsets = [0, 16], sizes = [256, 16], strides = [1, 1]} : vector<512x128xf32> to vector<256x16xf32>
    %slice3A_60 = vector.extract_strided_slice %slice3A_46 {offsets = [0, 16], sizes = [256, 16], strides = [1, 1]} : vector<512x128xf32> to vector<256x16xf32>
    %dot_general3A_61 = arith.constant dense<0.000000e+00> : vector<256x256xf32>
    %dot_general3A_62 = tpu.matmul %slice3A_59, %slice3A_60, %dot_general3A_61 {dimension_numbers = #tpu.dot_dimension_numbers<[1], [1], [0], [0], [0, 0, 1, 0], [], []>, transpose_lhs_hint = false} : vector<256x16xf32>, vector<256x16xf32>, vector<256x256xf32> -> vector<256x256xf32>
    %exp3A_63 = math.exp %dot_general3A_62 : vector<256x256xf32>
    %slice3A_64 = vector.extract_strided_slice %slice3A_47 {offsets = [0, 16], sizes = [256, 16], strides = [1, 1]} : vector<512x128xf32> to vector<256x16xf32>
    %concatenate3A_65 = tpu.concatenate %slice3A_64, %broadcast_in_dim3A_49 in 1 : vector<256x16xf32>, vector<256x16xf32> -> vector<256x32xf32>
    %dot_general3A_66 = arith.constant dense<0.000000e+00> : vector<256x32xf32>
    %dot_general3A_67 = tpu.matmul %exp3A_63, %concatenate3A_65, %dot_general3A_66 {dimension_numbers = #tpu.dot_dimension_numbers<[1], [0], [0], [1], [0, 0, 1, 1], [], []>, transpose_lhs_hint = false} : vector<256x256xf32>, vector<256x32xf32>, vector<256x32xf32> -> vector<256x32xf32>
    %slice3A_68 = vector.extract_strided_slice %dot_general3A_67 {offsets = [0, 0], sizes = [256, 16], strides = [1, 1]} : vector<256x32xf32> to vector<256x16xf32>
    %slice3A_69 = vector.extract_strided_slice %dot_general3A_67 {offsets = [0, 16], sizes = [256, 16], strides = [1, 1]} : vector<256x32xf32> to vector<256x16xf32>
    %div3A_70 = arith.divf %slice3A_68, %slice3A_69 : vector<256x16xf32>
    %slice3A_71 = vector.extract_strided_slice %slice3A {offsets = [0, 32], sizes = [256, 16], strides = [1, 1]} : vector<512x128xf32> to vector<256x16xf32>
    %slice3A_72 = vector.extract_strided_slice %slice3A_46 {offsets = [0, 32], sizes = [256, 16], strides = [1, 1]} : vector<512x128xf32> to vector<256x16xf32>
    %dot_general3A_73 = arith.constant dense<0.000000e+00> : vector<256x256xf32>
    %dot_general3A_74 = tpu.matmul %slice3A_71, %slice3A_72, %dot_general3A_73 {dimension_numbers = #tpu.dot_dimension_numbers<[1], [1], [0], [0], [0, 0, 1, 0], [], []>, transpose_lhs_hint = false} : vector<256x16xf32>, vector<256x16xf32>, vector<256x256xf32> -> vector<256x256xf32>
    %exp3A_75 = math.exp %dot_general3A_74 : vector<256x256xf32>
    %slice3A_76 = vector.extract_strided_slice %slice3A_47 {offsets = [0, 32], sizes = [256, 16], strides = [1, 1]} : vector<512x128xf32> to vector<256x16xf32>
    %concatenate3A_77 = tpu.concatenate %slice3A_76, %broadcast_in_dim3A_49 in 1 : vector<256x16xf32>, vector<256x16xf32> -> vector<256x32xf32>
    %dot_general3A_78 = arith.constant dense<0.000000e+00> : vector<256x32xf32>
    %dot_general3A_79 = tpu.matmul %exp3A_75, %concatenate3A_77, %dot_general3A_78 {dimension_numbers = #tpu.dot_dimension_numbers<[1], [0], [0], [1], [0, 0, 1, 1], [], []>, transpose_lhs_hint = false} : vector<256x256xf32>, vector<256x32xf32>, vector<256x32xf32> -> vector<256x32xf32>
    %slice3A_80 = vector.extract_strided_slice %dot_general3A_79 {offsets = [0, 0], sizes = [256, 16], strides = [1, 1]} : vector<256x32xf32> to vector<256x16xf32>
    %slice3A_81 = vector.extract_strided_slice %dot_general3A_79 {offsets = [0, 16], sizes = [256, 16], strides = [1, 1]} : vector<256x32xf32> to vector<256x16xf32>
    %div3A_82 = arith.divf %slice3A_80, %slice3A_81 : vector<256x16xf32>
    %slice3A_83 = vector.extract_strided_slice %slice3A {offsets = [0, 48], sizes = [256, 16], strides = [1, 1]} : vector<512x128xf32> to vector<256x16xf32>
    %slice3A_84 = vector.extract_strided_slice %slice3A_46 {offsets = [0, 48], sizes = [256, 16], strides = [1, 1]} : vector<512x128xf32> to vector<256x16xf32>
    %dot_general3A_85 = arith.constant dense<0.000000e+00> : vector<256x256xf32>
    %dot_general3A_86 = tpu.matmul %slice3A_83, %slice3A_84, %dot_general3A_85 {dimension_numbers = #tpu.dot_dimension_numbers<[1], [1], [0], [0], [0, 0, 1, 0], [], []>, transpose_lhs_hint = false} : vector<256x16xf32>, vector<256x16xf32>, vector<256x256xf32> -> vector<256x256xf32>
    %exp3A_87 = math.exp %dot_general3A_86 : vector<256x256xf32>
    %slice3A_88 = vector.extract_strided_slice %slice3A_47 {offsets = [0, 48], sizes = [256, 16], strides = [1, 1]} : vector<512x128xf32> to vector<256x16xf32>
    %concatenate3A_89 = tpu.concatenate %slice3A_88, %broadcast_in_dim3A_49 in 1 : vector<256x16xf32>, vector<256x16xf32> -> vector<256x32xf32>
    %dot_general3A_90 = arith.constant dense<0.000000e+00> : vector<256x32xf32>
    %dot_general3A_91 = tpu.matmul %exp3A_87, %concatenate3A_89, %dot_general3A_90 {dimension_numbers = #tpu.dot_dimension_numbers<[1], [0], [0], [1], [0, 0, 1, 1], [], []>, transpose_lhs_hint = false} : vector<256x256xf32>, vector<256x32xf32>, vector<256x32xf32> -> vector<256x32xf32>
    %slice3A_92 = vector.extract_strided_slice %dot_general3A_91 {offsets = [0, 0], sizes = [256, 16], strides = [1, 1]} : vector<256x32xf32> to vector<256x16xf32>
    %slice3A_93 = vector.extract_strided_slice %dot_general3A_91 {offsets = [0, 16], sizes = [256, 16], strides = [1, 1]} : vector<256x32xf32> to vector<256x16xf32>
    %div3A_94 = arith.divf %slice3A_92, %slice3A_93 : vector<256x16xf32>
    %slice3A_95 = vector.extract_strided_slice %slice3A {offsets = [0, 64], sizes = [256, 16], strides = [1, 1]} : vector<512x128xf32> to vector<256x16xf32>
    %slice3A_96 = vector.extract_strided_slice %slice3A_46 {offsets = [0, 64], sizes = [256, 16], strides = [1, 1]} : vector<512x128xf32> to vector<256x16xf32>
    %dot_general3A_97 = arith.constant dense<0.000000e+00> : vector<256x256xf32>
    %dot_general3A_98 = tpu.matmul %slice3A_95, %slice3A_96, %dot_general3A_97 {dimension_numbers = #tpu.dot_dimension_numbers<[1], [1], [0], [0], [0, 0, 1, 0], [], []>, transpose_lhs_hint = false} : vector<256x16xf32>, vector<256x16xf32>, vector<256x256xf32> -> vector<256x256xf32>
    %exp3A_99 = math.exp %dot_general3A_98 : vector<256x256xf32>
    %slice3A_100 = vector.extract_strided_slice %slice3A_47 {offsets = [0, 64], sizes = [256, 16], strides = [1, 1]} : vector<512x128xf32> to vector<256x16xf32>
    %concatenate3A_101 = tpu.concatenate %slice3A_100, %broadcast_in_dim3A_49 in 1 : vector<256x16xf32>, vector<256x16xf32> -> vector<256x32xf32>
    %dot_general3A_102 = arith.constant dense<0.000000e+00> : vector<256x32xf32>
    %dot_general3A_103 = tpu.matmul %exp3A_99, %concatenate3A_101, %dot_general3A_102 {dimension_numbers = #tpu.dot_dimension_numbers<[1], [0], [0], [1], [0, 0, 1, 1], [], []>, transpose_lhs_hint = false} : vector<256x256xf32>, vector<256x32xf32>, vector<256x32xf32> -> vector<256x32xf32>
    %slice3A_104 = vector.extract_strided_slice %dot_general3A_103 {offsets = [0, 0], sizes = [256, 16], strides = [1, 1]} : vector<256x32xf32> to vector<256x16xf32>
    %slice3A_105 = vector.extract_strided_slice %dot_general3A_103 {offsets = [0, 16], sizes = [256, 16], strides = [1, 1]} : vector<256x32xf32> to vector<256x16xf32>
    %div3A_106 = arith.divf %slice3A_104, %slice3A_105 : vector<256x16xf32>
    %slice3A_107 = vector.extract_strided_slice %slice3A {offsets = [0, 80], sizes = [256, 16], strides = [1, 1]} : vector<512x128xf32> to vector<256x16xf32>
    %slice3A_108 = vector.extract_strided_slice %slice3A_46 {offsets = [0, 80], sizes = [256, 16], strides = [1, 1]} : vector<512x128xf32> to vector<256x16xf32>
    %dot_general3A_109 = arith.constant dense<0.000000e+00> : vector<256x256xf32>
    %dot_general3A_110 = tpu.matmul %slice3A_107, %slice3A_108, %dot_general3A_109 {dimension_numbers = #tpu.dot_dimension_numbers<[1], [1], [0], [0], [0, 0, 1, 0], [], []>, transpose_lhs_hint = false} : vector<256x16xf32>, vector<256x16xf32>, vector<256x256xf32> -> vector<256x256xf32>
    %exp3A_111 = math.exp %dot_general3A_110 : vector<256x256xf32>
    %slice3A_112 = vector.extract_strided_slice %slice3A_47 {offsets = [0, 80], sizes = [256, 16], strides = [1, 1]} : vector<512x128xf32> to vector<256x16xf32>
    %concatenate3A_113 = tpu.concatenate %slice3A_112, %broadcast_in_dim3A_49 in 1 : vector<256x16xf32>, vector<256x16xf32> -> vector<256x32xf32>
    %dot_general3A_114 = arith.constant dense<0.000000e+00> : vector<256x32xf32>
    %dot_general3A_115 = tpu.matmul %exp3A_111, %concatenate3A_113, %dot_general3A_114 {dimension_numbers = #tpu.dot_dimension_numbers<[1], [0], [0], [1], [0, 0, 1, 1], [], []>, transpose_lhs_hint = false} : vector<256x256xf32>, vector<256x32xf32>, vector<256x32xf32> -> vector<256x32xf32>
    %slice3A_116 = vector.extract_strided_slice %dot_general3A_115 {offsets = [0, 0], sizes = [256, 16], strides = [1, 1]} : vector<256x32xf32> to vector<256x16xf32>
    %slice3A_117 = vector.extract_strided_slice %dot_general3A_115 {offsets = [0, 16], sizes = [256, 16], strides = [1, 1]} : vector<256x32xf32> to vector<256x16xf32>
    %div3A_118 = arith.divf %slice3A_116, %slice3A_117 : vector<256x16xf32>
    %slice3A_119 = vector.extract_strided_slice %slice3A {offsets = [0, 96], sizes = [256, 16], strides = [1, 1]} : vector<512x128xf32> to vector<256x16xf32>
    %slice3A_120 = vector.extract_strided_slice %slice3A_46 {offsets = [0, 96], sizes = [256, 16], strides = [1, 1]} : vector<512x128xf32> to vector<256x16xf32>
    %dot_general3A_121 = arith.constant dense<0.000000e+00> : vector<256x256xf32>
    %dot_general3A_122 = tpu.matmul %slice3A_119, %slice3A_120, %dot_general3A_121 {dimension_numbers = #tpu.dot_dimension_numbers<[1], [1], [0], [0], [0, 0, 1, 0], [], []>, transpose_lhs_hint = false} : vector<256x16xf32>, vector<256x16xf32>, vector<256x256xf32> -> vector<256x256xf32>
    %exp3A_123 = math.exp %dot_general3A_122 : vector<256x256xf32>
    %slice3A_124 = vector.extract_strided_slice %slice3A_47 {offsets = [0, 96], sizes = [256, 16], strides = [1, 1]} : vector<512x128xf32> to vector<256x16xf32>
    %concatenate3A_125 = tpu.concatenate %slice3A_124, %broadcast_in_dim3A_49 in 1 : vector<256x16xf32>, vector<256x16xf32> -> vector<256x32xf32>
    %dot_general3A_126 = arith.constant dense<0.000000e+00> : vector<256x32xf32>
    %dot_general3A_127 = tpu.matmul %exp3A_123, %concatenate3A_125, %dot_general3A_126 {dimension_numbers = #tpu.dot_dimension_numbers<[1], [0], [0], [1], [0, 0, 1, 1], [], []>, transpose_lhs_hint = false} : vector<256x256xf32>, vector<256x32xf32>, vector<256x32xf32> -> vector<256x32xf32>
    %slice3A_128 = vector.extract_strided_slice %dot_general3A_127 {offsets = [0, 0], sizes = [256, 16], strides = [1, 1]} : vector<256x32xf32> to vector<256x16xf32>
    %slice3A_129 = vector.extract_strided_slice %dot_general3A_127 {offsets = [0, 16], sizes = [256, 16], strides = [1, 1]} : vector<256x32xf32> to vector<256x16xf32>
    %div3A_130 = arith.divf %slice3A_128, %slice3A_129 : vector<256x16xf32>
    %slice3A_131 = vector.extract_strided_slice %slice3A {offsets = [0, 112], sizes = [256, 16], strides = [1, 1]} : vector<512x128xf32> to vector<256x16xf32>
    %slice3A_132 = vector.extract_strided_slice %slice3A_46 {offsets = [0, 112], sizes = [256, 16], strides = [1, 1]} : vector<512x128xf32> to vector<256x16xf32>
    %dot_general3A_133 = arith.constant dense<0.000000e+00> : vector<256x256xf32>
    %dot_general3A_134 = tpu.matmul %slice3A_131, %slice3A_132, %dot_general3A_133 {dimension_numbers = #tpu.dot_dimension_numbers<[1], [1], [0], [0], [0, 0, 1, 0], [], []>, transpose_lhs_hint = false} : vector<256x16xf32>, vector<256x16xf32>, vector<256x256xf32> -> vector<256x256xf32>
    %exp3A_135 = math.exp %dot_general3A_134 : vector<256x256xf32>
    %slice3A_136 = vector.extract_strided_slice %slice3A_47 {offsets = [0, 112], sizes = [256, 16], strides = [1, 1]} : vector<512x128xf32> to vector<256x16xf32>
    %concatenate3A_137 = tpu.concatenate %slice3A_136, %broadcast_in_dim3A_49 in 1 : vector<256x16xf32>, vector<256x16xf32> -> vector<256x32xf32>
    %dot_general3A_138 = arith.constant dense<0.000000e+00> : vector<256x32xf32>
    %dot_general3A_139 = tpu.matmul %exp3A_135, %concatenate3A_137, %dot_general3A_138 {dimension_numbers = #tpu.dot_dimension_numbers<[1], [0], [0], [1], [0, 0, 1, 1], [], []>, transpose_lhs_hint = false} : vector<256x256xf32>, vector<256x32xf32>, vector<256x32xf32> -> vector<256x32xf32>
    %slice3A_140 = vector.extract_strided_slice %dot_general3A_139 {offsets = [0, 0], sizes = [256, 16], strides = [1, 1]} : vector<256x32xf32> to vector<256x16xf32>
    %slice3A_141 = vector.extract_strided_slice %dot_general3A_139 {offsets = [0, 16], sizes = [256, 16], strides = [1, 1]} : vector<256x32xf32> to vector<256x16xf32>
    %div3A_142 = arith.divf %slice3A_140, %slice3A_141 : vector<256x16xf32>
    %concatenate3A_143 = tpu.concatenate %div3A, %div3A_70, %div3A_82, %div3A_94, %div3A_106, %div3A_118, %div3A_130, %div3A_142 in 1 : vector<256x16xf32>, vector<256x16xf32>, vector<256x16xf32>, vector<256x16xf32>, vector<256x16xf32>, vector<256x16xf32>, vector<256x16xf32>, vector<256x16xf32> -> vector<256x128xf32>
    %slice3A_144 = vector.extract_strided_slice %slice3A {offsets = [256, 0], sizes = [256, 16], strides = [1, 1]} : vector<512x128xf32> to vector<256x16xf32>
    %slice3A_145 = vector.extract_strided_slice %slice3A_46 {offsets = [256, 0], sizes = [256, 16], strides = [1, 1]} : vector<512x128xf32> to vector<256x16xf32>
    %dot_general3A_146 = arith.constant dense<0.000000e+00> : vector<256x256xf32>
    %dot_general3A_147 = tpu.matmul %slice3A_144, %slice3A_145, %dot_general3A_146 {dimension_numbers = #tpu.dot_dimension_numbers<[1], [1], [0], [0], [0, 0, 1, 0], [], []>, transpose_lhs_hint = false} : vector<256x16xf32>, vector<256x16xf32>, vector<256x256xf32> -> vector<256x256xf32>
    %exp3A_148 = math.exp %dot_general3A_147 : vector<256x256xf32>
    %slice3A_149 = vector.extract_strided_slice %slice3A_47 {offsets = [256, 0], sizes = [256, 16], strides = [1, 1]} : vector<512x128xf32> to vector<256x16xf32>
    %concatenate3A_150 = tpu.concatenate %slice3A_149, %broadcast_in_dim3A_49 in 1 : vector<256x16xf32>, vector<256x16xf32> -> vector<256x32xf32>
    %dot_general3A_151 = arith.constant dense<0.000000e+00> : vector<256x32xf32>
    %dot_general3A_152 = tpu.matmul %exp3A_148, %concatenate3A_150, %dot_general3A_151 {dimension_numbers = #tpu.dot_dimension_numbers<[1], [0], [0], [1], [0, 0, 1, 1], [], []>, transpose_lhs_hint = false} : vector<256x256xf32>, vector<256x32xf32>, vector<256x32xf32> -> vector<256x32xf32>
    %slice3A_153 = vector.extract_strided_slice %dot_general3A_152 {offsets = [0, 0], sizes = [256, 16], strides = [1, 1]} : vector<256x32xf32> to vector<256x16xf32>
    %slice3A_154 = vector.extract_strided_slice %dot_general3A_152 {offsets = [0, 16], sizes = [256, 16], strides = [1, 1]} : vector<256x32xf32> to vector<256x16xf32>
    %div3A_155 = arith.divf %slice3A_153, %slice3A_154 : vector<256x16xf32>
    %slice3A_156 = vector.extract_strided_slice %slice3A {offsets = [256, 16], sizes = [256, 16], strides = [1, 1]} : vector<512x128xf32> to vector<256x16xf32>
    %slice3A_157 = vector.extract_strided_slice %slice3A_46 {offsets = [256, 16], sizes = [256, 16], strides = [1, 1]} : vector<512x128xf32> to vector<256x16xf32>
    %dot_general3A_158 = arith.constant dense<0.000000e+00> : vector<256x256xf32>
    %dot_general3A_159 = tpu.matmul %slice3A_156, %slice3A_157, %dot_general3A_158 {dimension_numbers = #tpu.dot_dimension_numbers<[1], [1], [0], [0], [0, 0, 1, 0], [], []>, transpose_lhs_hint = false} : vector<256x16xf32>, vector<256x16xf32>, vector<256x256xf32> -> vector<256x256xf32>
    %exp3A_160 = math.exp %dot_general3A_159 : vector<256x256xf32>
    %slice3A_161 = vector.extract_strided_slice %slice3A_47 {offsets = [256, 16], sizes = [256, 16], strides = [1, 1]} : vector<512x128xf32> to vector<256x16xf32>
    %concatenate3A_162 = tpu.concatenate %slice3A_161, %broadcast_in_dim3A_49 in 1 : vector<256x16xf32>, vector<256x16xf32> -> vector<256x32xf32>
    %dot_general3A_163 = arith.constant dense<0.000000e+00> : vector<256x32xf32>
    %dot_general3A_164 = tpu.matmul %exp3A_160, %concatenate3A_162, %dot_general3A_163 {dimension_numbers = #tpu.dot_dimension_numbers<[1], [0], [0], [1], [0, 0, 1, 1], [], []>, transpose_lhs_hint = false} : vector<256x256xf32>, vector<256x32xf32>, vector<256x32xf32> -> vector<256x32xf32>
    %slice3A_165 = vector.extract_strided_slice %dot_general3A_164 {offsets = [0, 0], sizes = [256, 16], strides = [1, 1]} : vector<256x32xf32> to vector<256x16xf32>
    %slice3A_166 = vector.extract_strided_slice %dot_general3A_164 {offsets = [0, 16], sizes = [256, 16], strides = [1, 1]} : vector<256x32xf32> to vector<256x16xf32>
    %div3A_167 = arith.divf %slice3A_165, %slice3A_166 : vector<256x16xf32>
    %slice3A_168 = vector.extract_strided_slice %slice3A {offsets = [256, 32], sizes = [256, 16], strides = [1, 1]} : vector<512x128xf32> to vector<256x16xf32>
    %slice3A_169 = vector.extract_strided_slice %slice3A_46 {offsets = [256, 32], sizes = [256, 16], strides = [1, 1]} : vector<512x128xf32> to vector<256x16xf32>
    %dot_general3A_170 = arith.constant dense<0.000000e+00> : vector<256x256xf32>
    %dot_general3A_171 = tpu.matmul %slice3A_168, %slice3A_169, %dot_general3A_170 {dimension_numbers = #tpu.dot_dimension_numbers<[1], [1], [0], [0], [0, 0, 1, 0], [], []>, transpose_lhs_hint = false} : vector<256x16xf32>, vector<256x16xf32>, vector<256x256xf32> -> vector<256x256xf32>
    %exp3A_172 = math.exp %dot_general3A_171 : vector<256x256xf32>
    %slice3A_173 = vector.extract_strided_slice %slice3A_47 {offsets = [256, 32], sizes = [256, 16], strides = [1, 1]} : vector<512x128xf32> to vector<256x16xf32>
    %concatenate3A_174 = tpu.concatenate %slice3A_173, %broadcast_in_dim3A_49 in 1 : vector<256x16xf32>, vector<256x16xf32> -> vector<256x32xf32>
    %dot_general3A_175 = arith.constant dense<0.000000e+00> : vector<256x32xf32>
    %dot_general3A_176 = tpu.matmul %exp3A_172, %concatenate3A_174, %dot_general3A_175 {dimension_numbers = #tpu.dot_dimension_numbers<[1], [0], [0], [1], [0, 0, 1, 1], [], []>, transpose_lhs_hint = false} : vector<256x256xf32>, vector<256x32xf32>, vector<256x32xf32> -> vector<256x32xf32>
    %slice3A_177 = vector.extract_strided_slice %dot_general3A_176 {offsets = [0, 0], sizes = [256, 16], strides = [1, 1]} : vector<256x32xf32> to vector<256x16xf32>
    %slice3A_178 = vector.extract_strided_slice %dot_general3A_176 {offsets = [0, 16], sizes = [256, 16], strides = [1, 1]} : vector<256x32xf32> to vector<256x16xf32>
    %div3A_179 = arith.divf %slice3A_177, %slice3A_178 : vector<256x16xf32>
    %slice3A_180 = vector.extract_strided_slice %slice3A {offsets = [256, 48], sizes = [256, 16], strides = [1, 1]} : vector<512x128xf32> to vector<256x16xf32>
    %slice3A_181 = vector.extract_strided_slice %slice3A_46 {offsets = [256, 48], sizes = [256, 16], strides = [1, 1]} : vector<512x128xf32> to vector<256x16xf32>
    %dot_general3A_182 = arith.constant dense<0.000000e+00> : vector<256x256xf32>
    %dot_general3A_183 = tpu.matmul %slice3A_180, %slice3A_181, %dot_general3A_182 {dimension_numbers = #tpu.dot_dimension_numbers<[1], [1], [0], [0], [0, 0, 1, 0], [], []>, transpose_lhs_hint = false} : vector<256x16xf32>, vector<256x16xf32>, vector<256x256xf32> -> vector<256x256xf32>
    %exp3A_184 = math.exp %dot_general3A_183 : vector<256x256xf32>
    %slice3A_185 = vector.extract_strided_slice %slice3A_47 {offsets = [256, 48], sizes = [256, 16], strides = [1, 1]} : vector<512x128xf32> to vector<256x16xf32>
    %concatenate3A_186 = tpu.concatenate %slice3A_185, %broadcast_in_dim3A_49 in 1 : vector<256x16xf32>, vector<256x16xf32> -> vector<256x32xf32>
    %dot_general3A_187 = arith.constant dense<0.000000e+00> : vector<256x32xf32>
    %dot_general3A_188 = tpu.matmul %exp3A_184, %concatenate3A_186, %dot_general3A_187 {dimension_numbers = #tpu.dot_dimension_numbers<[1], [0], [0], [1], [0, 0, 1, 1], [], []>, transpose_lhs_hint = false} : vector<256x256xf32>, vector<256x32xf32>, vector<256x32xf32> -> vector<256x32xf32>
    %slice3A_189 = vector.extract_strided_slice %dot_general3A_188 {offsets = [0, 0], sizes = [256, 16], strides = [1, 1]} : vector<256x32xf32> to vector<256x16xf32>
    %slice3A_190 = vector.extract_strided_slice %dot_general3A_188 {offsets = [0, 16], sizes = [256, 16], strides = [1, 1]} : vector<256x32xf32> to vector<256x16xf32>
    %div3A_191 = arith.divf %slice3A_189, %slice3A_190 : vector<256x16xf32>
    %slice3A_192 = vector.extract_strided_slice %slice3A {offsets = [256, 64], sizes = [256, 16], strides = [1, 1]} : vector<512x128xf32> to vector<256x16xf32>
    %slice3A_193 = vector.extract_strided_slice %slice3A_46 {offsets = [256, 64], sizes = [256, 16], strides = [1, 1]} : vector<512x128xf32> to vector<256x16xf32>
    %dot_general3A_194 = arith.constant dense<0.000000e+00> : vector<256x256xf32>
    %dot_general3A_195 = tpu.matmul %slice3A_192, %slice3A_193, %dot_general3A_194 {dimension_numbers = #tpu.dot_dimension_numbers<[1], [1], [0], [0], [0, 0, 1, 0], [], []>, transpose_lhs_hint = false} : vector<256x16xf32>, vector<256x16xf32>, vector<256x256xf32> -> vector<256x256xf32>
    %exp3A_196 = math.exp %dot_general3A_195 : vector<256x256xf32>
    %slice3A_197 = vector.extract_strided_slice %slice3A_47 {offsets = [256, 64], sizes = [256, 16], strides = [1, 1]} : vector<512x128xf32> to vector<256x16xf32>
    %concatenate3A_198 = tpu.concatenate %slice3A_197, %broadcast_in_dim3A_49 in 1 : vector<256x16xf32>, vector<256x16xf32> -> vector<256x32xf32>
    %dot_general3A_199 = arith.constant dense<0.000000e+00> : vector<256x32xf32>
    %dot_general3A_200 = tpu.matmul %exp3A_196, %concatenate3A_198, %dot_general3A_199 {dimension_numbers = #tpu.dot_dimension_numbers<[1], [0], [0], [1], [0, 0, 1, 1], [], []>, transpose_lhs_hint = false} : vector<256x256xf32>, vector<256x32xf32>, vector<256x32xf32> -> vector<256x32xf32>
    %slice3A_201 = vector.extract_strided_slice %dot_general3A_200 {offsets = [0, 0], sizes = [256, 16], strides = [1, 1]} : vector<256x32xf32> to vector<256x16xf32>
    %slice3A_202 = vector.extract_strided_slice %dot_general3A_200 {offsets = [0, 16], sizes = [256, 16], strides = [1, 1]} : vector<256x32xf32> to vector<256x16xf32>
    %div3A_203 = arith.divf %slice3A_201, %slice3A_202 : vector<256x16xf32>
    %slice3A_204 = vector.extract_strided_slice %slice3A {offsets = [256, 80], sizes = [256, 16], strides = [1, 1]} : vector<512x128xf32> to vector<256x16xf32>
    %slice3A_205 = vector.extract_strided_slice %slice3A_46 {offsets = [256, 80], sizes = [256, 16], strides = [1, 1]} : vector<512x128xf32> to vector<256x16xf32>
    %dot_general3A_206 = arith.constant dense<0.000000e+00> : vector<256x256xf32>
    %dot_general3A_207 = tpu.matmul %slice3A_204, %slice3A_205, %dot_general3A_206 {dimension_numbers = #tpu.dot_dimension_numbers<[1], [1], [0], [0], [0, 0, 1, 0], [], []>, transpose_lhs_hint = false} : vector<256x16xf32>, vector<256x16xf32>, vector<256x256xf32> -> vector<256x256xf32>
    %exp3A_208 = math.exp %dot_general3A_207 : vector<256x256xf32>
    %slice3A_209 = vector.extract_strided_slice %slice3A_47 {offsets = [256, 80], sizes = [256, 16], strides = [1, 1]} : vector<512x128xf32> to vector<256x16xf32>
    %concatenate3A_210 = tpu.concatenate %slice3A_209, %broadcast_in_dim3A_49 in 1 : vector<256x16xf32>, vector<256x16xf32> -> vector<256x32xf32>
    %dot_general3A_211 = arith.constant dense<0.000000e+00> : vector<256x32xf32>
    %dot_general3A_212 = tpu.matmul %exp3A_208, %concatenate3A_210, %dot_general3A_211 {dimension_numbers = #tpu.dot_dimension_numbers<[1], [0], [0], [1], [0, 0, 1, 1], [], []>, transpose_lhs_hint = false} : vector<256x256xf32>, vector<256x32xf32>, vector<256x32xf32> -> vector<256x32xf32>
    %slice3A_213 = vector.extract_strided_slice %dot_general3A_212 {offsets = [0, 0], sizes = [256, 16], strides = [1, 1]} : vector<256x32xf32> to vector<256x16xf32>
    %slice3A_214 = vector.extract_strided_slice %dot_general3A_212 {offsets = [0, 16], sizes = [256, 16], strides = [1, 1]} : vector<256x32xf32> to vector<256x16xf32>
    %div3A_215 = arith.divf %slice3A_213, %slice3A_214 : vector<256x16xf32>
    %slice3A_216 = vector.extract_strided_slice %slice3A {offsets = [256, 96], sizes = [256, 16], strides = [1, 1]} : vector<512x128xf32> to vector<256x16xf32>
    %slice3A_217 = vector.extract_strided_slice %slice3A_46 {offsets = [256, 96], sizes = [256, 16], strides = [1, 1]} : vector<512x128xf32> to vector<256x16xf32>
    %dot_general3A_218 = arith.constant dense<0.000000e+00> : vector<256x256xf32>
    %dot_general3A_219 = tpu.matmul %slice3A_216, %slice3A_217, %dot_general3A_218 {dimension_numbers = #tpu.dot_dimension_numbers<[1], [1], [0], [0], [0, 0, 1, 0], [], []>, transpose_lhs_hint = false} : vector<256x16xf32>, vector<256x16xf32>, vector<256x256xf32> -> vector<256x256xf32>
    %exp3A_220 = math.exp %dot_general3A_219 : vector<256x256xf32>
    %slice3A_221 = vector.extract_strided_slice %slice3A_47 {offsets = [256, 96], sizes = [256, 16], strides = [1, 1]} : vector<512x128xf32> to vector<256x16xf32>
    %concatenate3A_222 = tpu.concatenate %slice3A_221, %broadcast_in_dim3A_49 in 1 : vector<256x16xf32>, vector<256x16xf32> -> vector<256x32xf32>
    %dot_general3A_223 = arith.constant dense<0.000000e+00> : vector<256x32xf32>
    %dot_general3A_224 = tpu.matmul %exp3A_220, %concatenate3A_222, %dot_general3A_223 {dimension_numbers = #tpu.dot_dimension_numbers<[1], [0], [0], [1], [0, 0, 1, 1], [], []>, transpose_lhs_hint = false} : vector<256x256xf32>, vector<256x32xf32>, vector<256x32xf32> -> vector<256x32xf32>
    %slice3A_225 = vector.extract_strided_slice %dot_general3A_224 {offsets = [0, 0], sizes = [256, 16], strides = [1, 1]} : vector<256x32xf32> to vector<256x16xf32>
    %slice3A_226 = vector.extract_strided_slice %dot_general3A_224 {offsets = [0, 16], sizes = [256, 16], strides = [1, 1]} : vector<256x32xf32> to vector<256x16xf32>
    %div3A_227 = arith.divf %slice3A_225, %slice3A_226 : vector<256x16xf32>
    %slice3A_228 = vector.extract_strided_slice %slice3A {offsets = [256, 112], sizes = [256, 16], strides = [1, 1]} : vector<512x128xf32> to vector<256x16xf32>
    %slice3A_229 = vector.extract_strided_slice %slice3A_46 {offsets = [256, 112], sizes = [256, 16], strides = [1, 1]} : vector<512x128xf32> to vector<256x16xf32>
    %dot_general3A_230 = arith.constant dense<0.000000e+00> : vector<256x256xf32>
    %dot_general3A_231 = tpu.matmul %slice3A_228, %slice3A_229, %dot_general3A_230 {dimension_numbers = #tpu.dot_dimension_numbers<[1], [1], [0], [0], [0, 0, 1, 0], [], []>, transpose_lhs_hint = false} : vector<256x16xf32>, vector<256x16xf32>, vector<256x256xf32> -> vector<256x256xf32>
    %exp3A_232 = math.exp %dot_general3A_231 : vector<256x256xf32>
    %slice3A_233 = vector.extract_strided_slice %slice3A_47 {offsets = [256, 112], sizes = [256, 16], strides = [1, 1]} : vector<512x128xf32> to vector<256x16xf32>
    %concatenate3A_234 = tpu.concatenate %slice3A_233, %broadcast_in_dim3A_49 in 1 : vector<256x16xf32>, vector<256x16xf32> -> vector<256x32xf32>
    %dot_general3A_235 = arith.constant dense<0.000000e+00> : vector<256x32xf32>
    %dot_general3A_236 = tpu.matmul %exp3A_232, %concatenate3A_234, %dot_general3A_235 {dimension_numbers = #tpu.dot_dimension_numbers<[1], [0], [0], [1], [0, 0, 1, 1], [], []>, transpose_lhs_hint = false} : vector<256x256xf32>, vector<256x32xf32>, vector<256x32xf32> -> vector<256x32xf32>
    %slice3A_237 = vector.extract_strided_slice %dot_general3A_236 {offsets = [0, 0], sizes = [256, 16], strides = [1, 1]} : vector<256x32xf32> to vector<256x16xf32>
    %slice3A_238 = vector.extract_strided_slice %dot_general3A_236 {offsets = [0, 16], sizes = [256, 16], strides = [1, 1]} : vector<256x32xf32> to vector<256x16xf32>
    %div3A_239 = arith.divf %slice3A_237, %slice3A_238 : vector<256x16xf32>
    %concatenate3A_240 = tpu.concatenate %div3A_155, %div3A_167, %div3A_179, %div3A_191, %div3A_203, %div3A_215, %div3A_227, %div3A_239 in 1 : vector<256x16xf32>, vector<256x16xf32>, vector<256x16xf32>, vector<256x16xf32>, vector<256x16xf32>, vector<256x16xf32>, vector<256x16xf32>, vector<256x16xf32> -> vector<256x128xf32>
    %concatenate3A_241 = tpu.concatenate %concatenate3A_143, %concatenate3A_240 in 0 : vector<256x128xf32>, vector<256x128xf32> -> vector<512x128xf32>
    %get3A_242 = arith.constant 0 : index
    %get3A_243 = arith.constant 0 : index
    %get3A_244 = vector.load %arg10[%get3A_242, %get3A_243] : memref<128x128xf32, #tpu.memory_space<vmem>>, vector<128x128xf32>
    %dot_general3A_245 = arith.constant dense<0.000000e+00> : vector<512x128xf32>
    %dot_general3A_246 = tpu.matmul %concatenate3A_241, %get3A_244, %dot_general3A_245 {dimension_numbers = #tpu.dot_dimension_numbers<[1], [0], [0], [1], [0, 0, 1, 1], [], []>, transpose_lhs_hint = false} : vector<512x128xf32>, vector<128x128xf32>, vector<512x128xf32> -> vector<512x128xf32>
    %get3A_247 = arith.constant 0 : index
    %get3A_248 = arith.constant 0 : index
    %get3A_249 = vector.load %arg11[%get3A_247, %get3A_248] : memref<1x128xf32, #tpu.memory_space<vmem>>, vector<1x128xf32>
    %add3A_250 = vector.broadcast %get3A_249 : vector<1x128xf32> to vector<512x128xf32>
    %add3A_251 = arith.addf %dot_general3A_246, %add3A_250 : vector<512x128xf32>
    %add3A_252 = arith.addf %reshape3A, %add3A_251 : vector<512x128xf32>
    %reduce_sum3A = arith.constant dense<0.000000e+00> : vector<512xf32>
    %reduce_sum3A_253 = vector.multi_reduction <add>, %add3A_252, %reduce_sum3A [1] : vector<512x128xf32> to vector<512xf32>
    %broadcast_in_dim3A_254 = vector.shape_cast %reduce_sum3A_253 : vector<512xf32> to vector<512x1xf32>
    %div3A_255 = arith.constant 1.280000e+02 : f32
    %div3A_256 = vector.broadcast %div3A_255 : f32 to vector<512x1xf32>
    %div3A_257 = arith.divf %broadcast_in_dim3A_254, %div3A_256 : vector<512x1xf32>
    %mul3A_258 = arith.mulf %add3A_252, %add3A_252 : vector<512x128xf32>
    %reduce_sum3A_259 = arith.constant dense<0.000000e+00> : vector<512xf32>
    %reduce_sum3A_260 = vector.multi_reduction <add>, %mul3A_258, %reduce_sum3A_259 [1] : vector<512x128xf32> to vector<512xf32>
    %broadcast_in_dim3A_261 = vector.shape_cast %reduce_sum3A_260 : vector<512xf32> to vector<512x1xf32>
    %div3A_262 = arith.constant 1.280000e+02 : f32
    %div3A_263 = vector.broadcast %div3A_262 : f32 to vector<512x1xf32>
    %div3A_264 = arith.divf %broadcast_in_dim3A_261, %div3A_263 : vector<512x1xf32>
    %mul3A_265 = arith.mulf %div3A_257, %div3A_257 : vector<512x1xf32>
    %sub3A_266 = arith.subf %div3A_264, %mul3A_265 : vector<512x1xf32>
    %add3A_267 = arith.constant 9.99999974E-6 : f32
    %add3A_268 = vector.broadcast %add3A_267 : f32 to vector<512x1xf32>
    %add3A_269 = arith.addf %sub3A_266, %add3A_268 : vector<512x1xf32>
    %rsqrt3A = math.rsqrt %add3A_269 : vector<512x1xf32>
    %sub3A_270 = vector.broadcast %div3A_257 : vector<512x1xf32> to vector<512x128xf32>
    %sub3A_271 = arith.subf %add3A_252, %sub3A_270 : vector<512x128xf32>
    %mul3A_272 = vector.broadcast %rsqrt3A : vector<512x1xf32> to vector<512x128xf32>
    %mul3A_273 = arith.mulf %sub3A_271, %mul3A_272 : vector<512x128xf32>
    %get3A_274 = arith.constant 0 : index
    %get3A_275 = arith.constant 0 : index
    %get3A_276 = vector.load %arg12[%get3A_274, %get3A_275] : memref<1x128xf32, #tpu.memory_space<vmem>>, vector<1x128xf32>
    %mul3A_277 = vector.broadcast %get3A_276 : vector<1x128xf32> to vector<512x128xf32>
    %mul3A_278 = arith.mulf %mul3A_273, %mul3A_277 : vector<512x128xf32>
    %get3A_279 = arith.constant 0 : index
    %get3A_280 = arith.constant 0 : index
    %get3A_281 = vector.load %arg13[%get3A_279, %get3A_280] : memref<1x128xf32, #tpu.memory_space<vmem>>, vector<1x128xf32>
    %add3A_282 = vector.broadcast %get3A_281 : vector<1x128xf32> to vector<512x128xf32>
    %add3A_283 = arith.addf %mul3A_278, %add3A_282 : vector<512x128xf32>
    %get3A_284 = arith.constant 0 : index
    %get3A_285 = arith.constant 0 : index
    %get3A_286 = vector.load %arg14[%get3A_284, %get3A_285] : memref<128x256xf32, #tpu.memory_space<vmem>>, vector<128x256xf32>
    %dot_general3A_287 = arith.constant dense<0.000000e+00> : vector<512x256xf32>
    %dot_general3A_288 = tpu.matmul %add3A_283, %get3A_286, %dot_general3A_287 {dimension_numbers = #tpu.dot_dimension_numbers<[1], [0], [0], [1], [0, 0, 1, 1], [], []>, transpose_lhs_hint = false} : vector<512x128xf32>, vector<128x256xf32>, vector<512x256xf32> -> vector<512x256xf32>
    %get3A_289 = arith.constant 0 : index
    %get3A_290 = arith.constant 0 : index
    %get3A_291 = vector.load %arg15[%get3A_289, %get3A_290] : memref<1x256xf32, #tpu.memory_space<vmem>>, vector<1x256xf32>
    %add3A_292 = vector.broadcast %get3A_291 : vector<1x256xf32> to vector<512x256xf32>
    %add3A_293 = arith.addf %dot_general3A_288, %add3A_292 : vector<512x256xf32>
    %max3A_294 = arith.constant 0.000000e+00 : f32
    %max3A_295 = vector.broadcast %max3A_294 : f32 to vector<512x256xf32>
    %max3A_296 = arith.maximumf %add3A_293, %max3A_295 : vector<512x256xf32>
    %get3A_297 = arith.constant 0 : index
    %get3A_298 = arith.constant 0 : index
    %get3A_299 = vector.load %arg16[%get3A_297, %get3A_298] : memref<256x128xf32, #tpu.memory_space<vmem>>, vector<256x128xf32>
    %dot_general3A_300 = arith.constant dense<0.000000e+00> : vector<512x128xf32>
    %dot_general3A_301 = tpu.matmul %max3A_296, %get3A_299, %dot_general3A_300 {dimension_numbers = #tpu.dot_dimension_numbers<[1], [0], [0], [1], [0, 0, 1, 1], [], []>, transpose_lhs_hint = false} : vector<512x256xf32>, vector<256x128xf32>, vector<512x128xf32> -> vector<512x128xf32>
    %get3A_302 = arith.constant 0 : index
    %get3A_303 = arith.constant 0 : index
    %get3A_304 = vector.load %arg17[%get3A_302, %get3A_303] : memref<1x128xf32, #tpu.memory_space<vmem>>, vector<1x128xf32>
    %add3A_305 = vector.broadcast %get3A_304 : vector<1x128xf32> to vector<512x128xf32>
    %add3A_306 = arith.addf %dot_general3A_301, %add3A_305 : vector<512x128xf32>
    %add3A_307 = arith.addf %add3A_283, %add3A_306 : vector<512x128xf32>
    %reduce_sum3A_308 = arith.constant dense<0.000000e+00> : vector<512xf32>
    %reduce_sum3A_309 = vector.multi_reduction <add>, %add3A_307, %reduce_sum3A_308 [1] : vector<512x128xf32> to vector<512xf32>
    %broadcast_in_dim3A_310 = vector.shape_cast %reduce_sum3A_309 : vector<512xf32> to vector<512x1xf32>
    %div3A_311 = arith.constant 1.280000e+02 : f32
    %div3A_312 = vector.broadcast %div3A_311 : f32 to vector<512x1xf32>
    %div3A_313 = arith.divf %broadcast_in_dim3A_310, %div3A_312 : vector<512x1xf32>
    %mul3A_314 = arith.mulf %add3A_307, %add3A_307 : vector<512x128xf32>
    %reduce_sum3A_315 = arith.constant dense<0.000000e+00> : vector<512xf32>
    %reduce_sum3A_316 = vector.multi_reduction <add>, %mul3A_314, %reduce_sum3A_315 [1] : vector<512x128xf32> to vector<512xf32>
    %broadcast_in_dim3A_317 = vector.shape_cast %reduce_sum3A_316 : vector<512xf32> to vector<512x1xf32>
    %div3A_318 = arith.constant 1.280000e+02 : f32
    %div3A_319 = vector.broadcast %div3A_318 : f32 to vector<512x1xf32>
    %div3A_320 = arith.divf %broadcast_in_dim3A_317, %div3A_319 : vector<512x1xf32>
    %mul3A_321 = arith.mulf %div3A_313, %div3A_313 : vector<512x1xf32>
    %sub3A_322 = arith.subf %div3A_320, %mul3A_321 : vector<512x1xf32>
    %add3A_323 = arith.constant 9.99999974E-6 : f32
    %add3A_324 = vector.broadcast %add3A_323 : f32 to vector<512x1xf32>
    %add3A_325 = arith.addf %sub3A_322, %add3A_324 : vector<512x1xf32>
    %rsqrt3A_326 = math.rsqrt %add3A_325 : vector<512x1xf32>
    %sub3A_327 = vector.broadcast %div3A_313 : vector<512x1xf32> to vector<512x128xf32>
    %sub3A_328 = arith.subf %add3A_307, %sub3A_327 : vector<512x128xf32>
    %mul3A_329 = vector.broadcast %rsqrt3A_326 : vector<512x1xf32> to vector<512x128xf32>
    %mul3A_330 = arith.mulf %sub3A_328, %mul3A_329 : vector<512x128xf32>
    %get3A_331 = arith.constant 0 : index
    %get3A_332 = arith.constant 0 : index
    %get3A_333 = vector.load %arg18[%get3A_331, %get3A_332] : memref<1x128xf32, #tpu.memory_space<vmem>>, vector<1x128xf32>
    %mul3A_334 = vector.broadcast %get3A_333 : vector<1x128xf32> to vector<512x128xf32>
    %mul3A_335 = arith.mulf %mul3A_330, %mul3A_334 : vector<512x128xf32>
    %get3A_336 = arith.constant 0 : index
    %get3A_337 = arith.constant 0 : index
    %get3A_338 = vector.load %arg19[%get3A_336, %get3A_337] : memref<1x128xf32, #tpu.memory_space<vmem>>, vector<1x128xf32>
    %add3A_339 = vector.broadcast %get3A_338 : vector<1x128xf32> to vector<512x128xf32>
    %add3A_340 = arith.addf %mul3A_335, %add3A_339 : vector<512x128xf32>
    %reshape3A_341 = vector.shape_cast %add3A_340 : vector<512x128xf32> to vector<2x256x128xf32>
    %swap3A = arith.constant 0 : index
    %swap3A_342 = arith.constant 0 : index
    %swap3A_343 = arith.constant 0 : index
    %swap3A_344 = arith.constant 0 : index
    %swap3A_345 = vector.load %arg20[%swap3A, %swap3A_342, %swap3A_343, %swap3A_344] : memref<1x2x256x128xf32, #tpu.memory_space<vmem>>, vector<1x2x256x128xf32>
    %swap3A_346 = vector.shape_cast %swap3A_345 : vector<1x2x256x128xf32> to vector<2x256x128xf32>
    %swap3A_347 = vector.shape_cast %reshape3A_341 : vector<2x256x128xf32> to vector<1x2x256x128xf32>
    tpu.vector_store %arg20[%swap3A, %swap3A_342, %swap3A_343, %swap3A_344], %swap3A_347 {strides = array<i32>} : memref<1x2x256x128xf32, #tpu.memory_space<vmem>>, vector<1x2x256x128xf32>,
    return
  }
  func.func @transform_0(%arg0: i32, %arg1: i32) -> (i32, i32, i32, i32) {
    %c0_i32 = arith.constant 0 : i32
    %c0_i32_0 = arith.constant 0 : i32
    %c0_i32_1 = arith.constant 0 : i32
    %c0_i32_2 = arith.constant 0 : i32
    return %c0_i32, %arg0, %c0_i32_0, %c0_i32_1 : i32, i32, i32, i32
  }
  func.func @transform_1(%arg0: i32, %arg1: i32) -> (i32, i32, i32, i32) {
    %c1_i32 = arith.constant 1 : i32
    %c0_i32 = arith.constant 0 : i32
    %c0_i32_0 = arith.constant 0 : i32
    %c0_i32_1 = arith.constant 0 : i32
    return %c1_i32, %arg0, %c0_i32, %c0_i32_0 : i32, i32, i32, i32
  }
  func.func @transform_2(%arg0: i32, %arg1: i32) -> (i32, i32, i32) {
    %c0_i32 = arith.constant 0 : i32
    %c0_i32_0 = arith.constant 0 : i32
    %c0_i32_1 = arith.constant 0 : i32
    return %arg0, %c0_i32, %c0_i32_0 : i32, i32, i32
  }
  func.func @transform_3(%arg0: i32, %arg1: i32) -> (i32, i32, i32) {
    %c0_i32 = arith.constant 0 : i32
    %c0_i32_0 = arith.constant 0 : i32
    %c0_i32_1 = arith.constant 0 : i32
    return %arg0, %c0_i32, %c0_i32_0 : i32, i32, i32
  }
  func.func @transform_4(%arg0: i32, %arg1: i32) -> (i32, i32) {
    %c0_i32 = arith.constant 0 : i32
    %c0_i32_0 = arith.constant 0 : i32
    %c0_i32_1 = arith.constant 0 : i32
    return %c0_i32, %c0_i32_0 : i32, i32
  }
  func.func @transform_5(%arg0: i32, %arg1: i32) -> (i32, i32, i32, i32) {
    %c0_i32 = arith.constant 0 : i32
    %c0_i32_0 = arith.constant 0 : i32
    %c0_i32_1 = arith.constant 0 : i32
    return %arg0, %arg1, %c0_i32, %c0_i32_0 : i32, i32, i32, i32
  }
  func.func @transform_6(%arg0: i32, %arg1: i32) -> (i32, i32) {
    %c0_i32 = arith.constant 0 : i32
    %c0_i32_0 = arith.constant 0 : i32
    %c0_i32_1 = arith.constant 0 : i32
    return %c0_i32, %c0_i32_0 : i32, i32
  }
  func.func @transform_7(%arg0: i32, %arg1: i32) -> (i32, i32) {
    %c0_i32 = arith.constant 0 : i32
    %c0_i32_0 = arith.constant 0 : i32
    %c0_i32_1 = arith.constant 0 : i32
    return %c0_i32, %c0_i32_0 : i32, i32
  }
  func.func @transform_8(%arg0: i32, %arg1: i32) -> (i32, i32) {
    %c0_i32 = arith.constant 0 : i32
    %c0_i32_0 = arith.constant 0 : i32
    %c0_i32_1 = arith.constant 0 : i32
    return %c0_i32, %c0_i32_0 : i32, i32
  }
  func.func @transform_9(%arg0: i32, %arg1: i32) -> (i32, i32) {
    %c0_i32 = arith.constant 0 : i32
    %c0_i32_0 = arith.constant 0 : i32
    %c0_i32_1 = arith.constant 0 : i32
    return %c0_i32, %c0_i32_0 : i32, i32
  }
  func.func @transform_10(%arg0: i32, %arg1: i32) -> (i32, i32) {
    %c0_i32 = arith.constant 0 : i32
    %c0_i32_0 = arith.constant 0 : i32
    %c0_i32_1 = arith.constant 0 : i32
    return %c0_i32, %c0_i32_0 : i32, i32
  }
  func.func @transform_11(%arg0: i32, %arg1: i32) -> (i32, i32) {
    %c0_i32 = arith.constant 0 : i32
    %c0_i32_0 = arith.constant 0 : i32
    %c0_i32_1 = arith.constant 0 : i32
    return %c0_i32, %c0_i32_0 : i32, i32
  }
  func.func @transform_12(%arg0: i32, %arg1: i32) -> (i32, i32) {
    %c0_i32 = arith.constant 0 : i32
    %c0_i32_0 = arith.constant 0 : i32
    %c0_i32_1 = arith.constant 0 : i32
    return %c0_i32, %c0_i32_0 : i32, i32
  }
  func.func @transform_13(%arg0: i32, %arg1: i32) -> (i32, i32) {
    %c0_i32 = arith.constant 0 : i32
    %c0_i32_0 = arith.constant 0 : i32
    %c0_i32_1 = arith.constant 0 : i32
    return %c0_i32, %c0_i32_0 : i32, i32
  }
  func.func @transform_14(%arg0: i32, %arg1: i32) -> (i32, i32) {
    %c0_i32 = arith.constant 0 : i32
    %c0_i32_0 = arith.constant 0 : i32
    %c0_i32_1 = arith.constant 0 : i32
    return %c0_i32, %c0_i32_0 : i32, i32
  }
  func.func @transform_15(%arg0: i32, %arg1: i32) -> (i32, i32) {
    %c0_i32 = arith.constant 0 : i32
    %c0_i32_0 = arith.constant 0 : i32
    %c0_i32_1 = arith.constant 0 : i32
    return %c0_i32, %c0_i32_0 : i32, i32
  }
  func.func @transform_16(%arg0: i32, %arg1: i32) -> (i32, i32) {
    %c0_i32 = arith.constant 0 : i32
    %c0_i32_0 = arith.constant 0 : i32
    %c0_i32_1 = arith.constant 0 : i32
    return %c0_i32, %c0_i32_0 : i32, i32
  }
  func.func @transform_17(%arg0: i32, %arg1: i32) -> (i32, i32) {
    %c0_i32 = arith.constant 0 : i32
    %c0_i32_0 = arith.constant 0 : i32
    %c0_i32_1 = arith.constant 0 : i32
    return %c0_i32, %c0_i32_0 : i32, i32
  }
  func.func @transform_18(%arg0: i32, %arg1: i32) -> (i32, i32, i32, i32) {
    %c0_i32 = arith.constant 0 : i32
    %c0_i32_0 = arith.constant 0 : i32
    %c0_i32_1 = arith.constant 0 : i32
    return %arg0, %arg1, %c0_i32, %c0_i32_0 : i32, i32, i32, i32
  }
}

</mosaic_0001>

<sc_bundles>
// kernel: kernel.10.cloned.1.call-start
scs
__scs_entry_jumppad:
0x0: {  	(pc) =	sbr.rel $0x88, $3  }
0x1: {  	(tag) =	ssettag $0x0;
	lr =	simm.s32 $0x1  }
0x2: {  	[smem:$0x3F8A] =	sst lr;
	_ =	strace $0xD0000000  }
0x3: {  	_ = 	snop  }
0x4: {  	_ = 	snop  }
0x5: {  	_ = 	snop  }
0x6: {  	_ = 	snop  }
0x7: {  	_ = 	snop  }
__scs_overlays_trampoline_lowered:
0x8: {  	[smem:$0x3F99] =	sst s0  }
0x9: {  	[smem:$0x3F9A] =	sst s1  }
0xa: {  	[smem:$0x3F9B] =	sst s2  }
0xb: {  	[smem:$0x3F9C] =	sst s3  }
0xc: {  	[smem:$0x3F9D] =	sst s4  }
0xd: {  	[smem:$0x3F9E] =	sst s5  }
0xe: {  	[smem:$0x3F9F] =	sst s6  }
0xf: {  	[smem:$0x3FA0] =	sst s7  }
0x10: {  	[smem:$0x3FA1] =	sst s8  }
0x11: {  	[smem:$0x3FA2] =	sst s9;
	s0 =	simm.s32 @!p0 $0x0  }
0x12: {  	s1 =	sld [smem:$0x3F88];
	s0 =	simm.s32 @p0 $0x1  }
0x13: {  	[smem:$0x3FA3] =	sst s0;
	s0 =	simm.s32 @!p1 $0x0  }
0x14: {  	s2 =	sld [smem:$0x3F87];
	s0 =	simm.s32 @p1 $0x1  }
0x15: {  	[smem:$0x3FA4] =	sst s0;
	s0 =	simm.s32 @!p2 $0x0  }
0x16: {  	s3 =	sld [smem:$0x3FDB];
	s0 =	simm.s32 @p2 $0x1  }
0x17: {  	s4 =	simm.s32 $0x1BF5;
	[smem:$0x3FA6] =	sst s0  }
0x18: {  	s0 =	sld [smem:$0x3F89];
	_ =	swait.ge [sflag:s4], $0x0  }
0x19: {  	s7 =	sld [smem:$0x3F8A]  }
0x1a: {  	s8 =	sadd.s32 $0xFFFFE003, lr  }
0x1b: {  	s9 =	sadd.s32 $0xFFFFFEF7, lr;
	s5 =	simm.s32 $0xFFFFFFFF;
	p2 =	slt.u32 s8, $0xFFFFF086  }
0x1c: {  	p1 =	slt.u32 s9, $0xF7A;
	s5 =	simm.s32 @!p2 $0x0  }
0x1d: {  	s5 =	simm.s32 @p1 $0x1;
	p0 =	seq.s32 s7, s2  }
0x1e: {  	s7 =	smul.u32 @!p0 $0xF7A, s2;
	p2 =	seq.s32 @!p0 s5, $0x0  }
0x1f: {  	s9 =	smul.u32 $0xF7A, s1;
	s8 =	simm.s32 @!p0 $0x1BF5;
	p2 =	por !p2, p0  }
0x20: {  	[sflag:s8] =	ssyncset.s32 @!p0 $0xFFFFF086;
	s6 =	sadd.s32 @!p0 s3, s7;
	s7 =	simm.s32 @!p0 $0x108  }
0x21: {  	s3 =	sadd.s32 s3, s9;
	s6 =	sadd.s32 @!p0 $0x88, s6;
	s7 =	simm.s32 @p2 $0x1082  }
0x22: {  	[simem:s7], [sflag:s8] =	dma.local @!p0 [hbm:s6], $0xF7A  }
0x23: {  	s9 =	sor.u32 $0xD0000000, s2;
	s6 =	simm.s32 $0x108;
	_ =	swait.ge @!p0 [sflag:s8], $0x0  }
0x24: {  	s3 =	sadd.s32 $0x88, s3;
	s6 =	simm.s32 @!p1 $0x1082;
	[sflag:s4] =	ssyncset.s32 $0xFFFFF086  }
0x25: {  	[simem:s6], [sflag:s4] =	dma.local [hbm:s3], $0xF7A  }
0x26: {  	[smem:$0x3F8A] =	sst s1;
	(tag) =	ssettag s2;
	_ =	strace s9  }
0x27: {  	s1 =	sld [smem:$0x3F9A]  }
0x28: {  	s2 =	sld [smem:$0x3F9B]  }
0x29: {  	s4 =	sld [smem:$0x3F9D]  }
0x2a: {  	p0 =	seq.s32 s5, $0x0;
	s5 =	sld [smem:$0x3F9E]  }
0x2b: {  	s6 =	sld [smem:$0x3F9F]  }
0x2c: {  	s7 =	sld [smem:$0x3FA0]  }
0x2d: {  	s3 =	simm.s32 $0x108;
	s8 =	sld [smem:$0x3FA1]  }
0x2e: {  	s3 =	simm.s32 @!p0 $0x1082;
	s9 =	sld [smem:$0x3FA2]  }
0x2f: {  	lr =	sadd.s32 s0, s3;
	s0 =	sld [smem:$0x3F99]  }
0x30: {  	s3 =	sld [smem:$0x3F9C]  }
0x31: {  	[smem:$0x3FA5] =	sst s10  }
0x32: {  	s10 =	sld [smem:$0x3FA3];
	_ =	sdelay $0x3  }
0x33: {  	p0 =	seq.s32 s10, $0x1;
	s10 =	sld [smem:$0x3FA5];
	_ =	sdelay $0x3  }
0x34: {  	[smem:$0x3FA5] =	sst s10  }
0x35: {  	s10 =	sld [smem:$0x3FA4];
	_ =	sdelay $0x3  }
0x36: {  	p1 =	seq.s32 s10, $0x1;
	s10 =	sld [smem:$0x3FA5];
	_ =	sdelay $0x3  }
0x37: {  	[smem:$0x3FA5] =	sst s10  }
0x38: {  	s10 =	sld [smem:$0x3FA6]  }
0x39: {  	_ = 	snop;
	(pc) =	sbr.ind lr, $3  }
0x3a: {  	_ = 	snop  }
0x3b: {  	_ = 	snop  }
0x3c: {  	p2 =	seq.s32 s10, $0x1;
	s10 =	sld [smem:$0x3FA5]  }
0x3d: {  	_ =	shalt  }
0x3e: {  	_ =	shalt  }
0x3f: {  	_ =	shalt  }
0x40: {  	_ =	shalt  }
0x41: {  	_ =	shalt  }
0x42: {  	_ =	shalt  }
0x43: {  	_ =	shalt  }
0x44: {  	_ =	shalt  }
0x45: {  	_ =	shalt  }
0x46: {  	_ =	shalt  }
0x47: {  	_ =	shalt  }
0x48: {  	_ =	shalt  }
0x49: {  	_ =	shalt  }
0x4a: {  	_ =	shalt  }
0x4b: {  	_ =	shalt  }
0x4c: {  	_ =	shalt  }
0x4d: {  	_ =	shalt  }
0x4e: {  	_ =	shalt  }
0x4f: {  	_ =	shalt  }
0x50: {  	_ =	shalt  }
0x51: {  	_ =	shalt  }
0x52: {  	_ =	shalt  }
0x53: {  	_ =	shalt  }
0x54: {  	_ =	shalt  }
0x55: {  	_ =	shalt  }
0x56: {  	_ =	shalt  }
0x57: {  	_ =	shalt  }
0x58: {  	_ =	shalt  }
0x59: {  	_ =	shalt  }
0x5a: {  	_ =	shalt  }
0x5b: {  	_ =	shalt  }
0x5c: {  	_ =	shalt  }
0x5d: {  	_ =	shalt  }
0x5e: {  	_ =	shalt  }
0x5f: {  	_ =	shalt  }
0x60: {  	_ =	shalt  }
0x61: {  	_ =	shalt  }
0x62: {  	_ =	shalt  }
0x63: {  	_ =	shalt  }
0x64: {  	_ =	shalt  }
0x65: {  	_ =	shalt  }
0x66: {  	_ =	shalt  }
0x67: {  	_ =	shalt  }
0x68: {  	_ =	shalt  }
0x69: {  	_ =	shalt  }
0x6a: {  	_ =	shalt  }
0x6b: {  	_ =	shalt  }
0x6c: {  	_ =	shalt  }
0x6d: {  	_ =	shalt  }
0x6e: {  	_ =	shalt  }
0x6f: {  	_ =	shalt  }
0x70: {  	_ =	shalt  }
0x71: {  	_ =	shalt  }
0x72: {  	_ =	shalt  }
0x73: {  	_ =	shalt  }
0x74: {  	_ =	shalt  }
0x75: {  	_ =	shalt  }
0x76: {  	_ =	shalt  }
0x77: {  	_ =	shalt  }
0x78: {  	_ =	shalt  }
0x79: {  	_ =	shalt  }
0x7a: {  	_ =	shalt  }
0x7b: {  	_ =	shalt  }
0x7c: {  	_ =	shalt  }
0x7d: {  	_ =	shalt  }
0x7e: {  	_ =	shalt  }
0x7f: {  	_ =	shalt  }
0x80: {  	_ =	shalt  }
0x81: {  	_ =	shalt  }
0x82: {  	_ =	shalt  }
0x83: {  	_ =	shalt  }
0x84: {  	_ =	shalt  }
0x85: {  	_ =	shalt  }
0x86: {  	_ =	shalt  }
0x87: {  	_ =	shalt  }
.Lfunc_end0:
.L_simem_size_0:
called_computation.1_lowered:
.L_overlay_start_0:
0x88: {  	s2 =	sld [smem:$0x3FD9]  }
0x89: {  	s3 =	sld [smem:$0x3FFE];
	_ =	sdelay $0x1  }
0x8a: {  	s1 =	srdreg.scid  }
0x8b: {  	s0 =	sand.u32 $0x1, s1  }
0x8c: {  	s17 =	sshll.u32 s0, $0xA;
	s2 =	sadd.s32 s3, s2  }
0x8d: {  	s2 =	sadd.s32 s2, s17  }
0x8e: {  	[smem:$0x3FB1] =	sst s2  }
0x8f: {  	_ = 	snop  }
0x90: {  	s2 =	sld [smem:$0x3FD0];
	(tm) =	ssettm $0x1  }
0x91: {  	s18 =	sld [smem:$0x3FFB];
	_ =	sdelay $0x3  }
0x92: {  	_ =	strace s18  }
0x93: {  	s3 =	sld [smem:$0x3FFC];
	_ =	sdelay $0x3  }
0x94: {  	_ =	strace s3  }
0x95: {  	s3 =	sld [smem:$0x3FFD];
	_ =	sdelay $0x3  }
0x96: {  	_ =	strace s3  }
0x97: {  	_ =	strace $0x8FFFFFFF  }
0x98: {  	s19 =	sld [smem:$0x3FDB];
	_ =	sdelay $0x1  }
0x99: {  	s4 =	simm.s32 $_scs_section_size  }
0x9a: {  	s5 =	simm.s32 $_size__tile_overlayer_lowered;
	s6 =	simm.s32 $_tile_overlayer_lowered  }
0x9b: {  	s22 =	simm.s32 $0x1BFF;
	s21 =	sshll.u32 s6, $0x1;
	s3 =	sadd.s32 s4, s19  }
0x9c: {  	s7 =	simm.s32 $0x0;
	s20 =	sshll.u32 s5, $0x1;
	s5 =	sadd.s32 s21, s3  }
0x9d: {  	[timem:s7], [sflag:s22] =	dma.local [hbm:s5], s20  }
0x9e: {  	_ =	swait.ge [sflag:s22], s20  }
0x9f: {  	s4 =	ssub.s32 $0x0, s20;
	[sflag:s22] =	ssyncset.done $0x0  }
0xa0: {  	[sflag:s22] =	ssyncadd.s32 s4;
	_ =	sdelay $0x1  }
0xa1: {  	s23 =	simm.s32 $0x1B8B  }
0xa2: {  	_ =	swait.ge [sflag:s23], $0x1  }
0xa3: {  	[sflag:s23] =	ssyncset.done $0x0  }
0xa4: {  	s25 =	simm.s32 $0x1B8E;
	s24 =	sld [smem:$0x3FFE];
	[sflag:s23] =	ssyncadd.s32 $0xFFFFFFFF  }
0xa5: {  	s26 =	simm.s32 $execute0_lowered;
	[smem:$0x3FD2] =	sst s25  }
0xa6: {  	s5 =	sshll.u32 s26, $0x1;
	_ =	strace $0x80000049;
	[dreg:$0x1] =	wrdreg $0xFFFFFFFF  }
0xa7: {  	s28 =	simm.s32 $_size_execute0_lowered;
	s3 =	sadd.s32 s3, s5;
	[dreg:$0x0] =	wrdreg $0x0  }
0xa8: {  	s5 =	sshll.u32 s28, $0x1;
	[dreg:$0x2] =	wrdreg s3  }
0xa9: {  	[dreg:$0x3] =	wrdreg s5  }
0xaa: {  	[dreg:$0x4] =	wrdreg $0xC0  }
0xab: {  	_ =	task [dreg:s7], $0x5FFFF  }
0xac: {  	[dreg:$0x1] =	wrdreg $0xFFFFFFFF  }
0xad: {  	[dreg:$0x0] =	wrdreg $0x60  }
0xae: {  	[dreg:$0x2] =	wrdreg s24  }
0xaf: {  	[dreg:$0x3] =	wrdreg s2  }
0xb0: {  	[dreg:$0x4] =	wrdreg $0x40800  }
0xb1: {  	[dreg:$0x5] =	wrdreg $0x9  }
0xb2: {  	_ =	task.clear_ibuf [dreg:s7], $0x6FFFF;
	_ =	strace $0x90000049  }
0xb3: {  	s29 =	simm.s32 $0x9;
	_ =	strace $0x8000004B  }
0xb4: {  	_ =	swait.ge [sflag:s29], $0x1  }
0xb5: {  	[sflag:s29] =	ssyncadd.s32 $0xFFFFFFFF  }
0xb6: {  	_ =	strace $0x9000004B  }
0xb7: {  	_ =	sfence  }
0xb8: {  	s30 =	sld [smem:$0x0];
	_ =	sdelay $0x2  }
0xb9: {  	s31 =	sshll.u32 s1, $0xD;
	s1 =	sshrl.u32 s1, $0x2  }
0xba: {  	s3 =	sand.u32 $0x4000, s31;
	s1 =	sadd.s32 s1, s30  }
0xbb: {  	s0 =	sor.u32 s3, s0;
	s1 =	sshll.u32 s1, $0x11  }
0xbc: {  	s0 =	sor.u32 s1, s0  }
0xbd: {  	s0 =	sadd.s32 $0x8F2B, s0  }
0xbe: {  	[sflag:s0] =	ssyncadd.remote.s32 $0x1  }
0xbf: {  	_ =	sfence.sel $0xFFFF  }
0xc0: {  	[dreg:$0x0] =	wrdreg $0xFFFFFFFF;
	(pc) =	sbr.abs _section_cstart, $3  }
0xc1: {  	[dreg:$0x1] =	wrdreg $0xFFFFFFFF  }
0xc2: {  	_ =	task.clear_ibuf [dreg:s7], $0x2FFFF;
	_ =	strace $0x9FFFFFFF  }
0xc3: {  	(tm) =	ssettm $0x7FFFFFFF  }
tec
execute0_lowered:
.L_overlay_start_1:
0x0: {  	(tag) =	ssettag $0x1  }
0x1: {  	s7 =	rddreg [dreg:$0x0]  }
0x2: {  	s9 =	rddreg [dreg:$0x1]  }
0x3: {  	s2 =	rddreg [dreg:$0x2];
	s1 =	stileid.u32  }
0x4: {  	s0 =	rddreg [dreg:$0x3];
	s3 =	simm.s32 $0x0;
	s10 =	sshll.u32 s1, $0xB  }
0x5: {  	[smem:$0x7FF] =	sst s3;
	s4 =	sadd.s32 s10, s7  }
0x6: {  	_ =	strace $0x8000004A;
	s5 =	sadd.s32 $0x4800, s4;
	s4 =	simm.s32 $0x1  }
0x7: {  	[tilespmem:s3], [sflag:$0x1] =	stream.linear.gather [hbm4b:s5+s3], $0x4000, $0x38;
	[tilespmem:$0x8080] =	vst v63  }
0x8: {  	s6 =	srdreg.scid;
	_ =	swait.ge [sflag:s4], $0x4000  }
0x9: {  	s8 =	sshll.u32 s1, $0x4;
	s11 =	sshll.u32 s1, $0xE;
	[sflag:s4] =	ssyncset.done $0x0  }
0xa: {  	s12 =	sand.u32 $0x1, s6;
	s6 =	sadd.s32 s11, s2;
	[sflag:s4] =	ssyncadd.s32 $0xFFFFC000  }
0xb: {  	[spmem:s6] =	stream.linear.scatter [tilespmem:s3], [sflag:$0x1], $0x4000, $0x38;
	[tilespmem:$0x8080] =	vst v63  }
0xc: {  	s7 =	sadd.s32 s8, s7;
	s29 =	sshll.u32 s12, $0x8;
	_ =	swait.ge [sflag:s4], $0x4000  }
0xd: {  	s7 =	sadd.s32 s29, s7;
	[sflag:s4] =	ssyncset.done $0x0  }
0xe: {  	s8 =	simm.s32 $0x4000;
	s7 =	sadd.s32 $0xC800, s7;
	[sflag:s4] =	ssyncadd.s32 $0xFFFFC000  }
0xf: {  	[tilespmem:s8], [sflag:$0x1] =	stream.linear.gather [hbm4b:s7+s3], $0x80, $0x38;
	[tilespmem:$0x8080] =	vst v63  }
0x10: {  	_ =	swait.ge [sflag:s4], $0x80  }
0x11: {  	s30 =	ssub.s32 $0x2, s12;
	[sflag:s4] =	ssyncset.done $0x0  }
0x12: {  	s10 =	sadd.s32 s9, s10;
	s13 =	sshrl.u32 s30, $0x1;
	[sflag:s4] =	ssyncadd.s32 $0xFFFFFF80  }
0x13: {  	s9 =	simm.s32 $0x80;
	s11 =	ssub.s32 s30, s13;
	[bflag:$0x0] =	sbarrier.arrive $0xFFFF  }
0x14: {  	[spmem:s2] =	stream.indirect.scatter.add.f32 [tilespmem:s3], [sflag:$0x1], $0x80, s8, s9, $0xb8;
	[tilespmem:$0x8080] =	vst v63  }
0x15: {  	s31 =	sshll.u32 s1, $0x6;
	s13 =	smax.u32 s11, $0x1;
	_ =	swait.ge [sflag:s4], $0x4000  }
0x16: {  	s12 =	sshll.u32 s12, $0xF;
	p0 =	sne.s32 s13, $0x1;
	[sflag:s4] =	ssyncset.done $0x0  }
.Ltmp0:
0x17: {  	s10 =	sadd.s32 s12, s10;
	[sflag:s4] =	ssyncadd.s32 $0xFFFFC000;
	(pc) =	sbr.rel @!p0 .LBB2_2-.Ltmp0, $4  }
0x18: {  	s12 =	sshrl.u32 s6, $0x3;
	s11 =	sor.u32 $0x1C01, s31;
	[bflag:$0x0] =	sbarrier.arrive $0xFFFF  }
0x19: {  	[hbm:s10], [sflag:s11] =	dma.local [spmem:s12], $0x800  }
0x1a: {  	_ =	swait.ge [sflag:s4], $0x800  }
0x1b: {  	s13 =	sadd.s32 $0xFFFFFFFF, s13;
	[sflag:s4] =	ssyncset.done $0x0  }
.LBB2_1:
0x1c: {  	p0 =	sne.s32 s13, $0x1;
	s13 =	sadd.s32 $0xFFFFFFFF, s13;
	[sflag:s4] =	ssyncadd.s32 $0xFFFFF800  }
0x1d: {  	[tilespmem:s3], [sflag:$0x1] =	stream.linear.gather [hbm4b:s5+s3], $0x4000, $0x38;
	[tilespmem:$0x8080] =	vst v63  }
0x1e: {  	_ =	swait.ge [sflag:s4], $0x4000  }
0x1f: {  	[sflag:s4] =	ssyncset.done $0x0  }
0x20: {  	[sflag:s4] =	ssyncadd.s32 $0xFFFFC000  }
0x21: {  	[spmem:s6] =	stream.linear.scatter [tilespmem:s3], [sflag:$0x1], $0x4000, $0x38;
	[tilespmem:$0x8080] =	vst v63  }
0x22: {  	_ =	swait.ge [sflag:s4], $0x4000  }
0x23: {  	[sflag:s4] =	ssyncset.done $0x0  }
0x24: {  	[sflag:s4] =	ssyncadd.s32 $0xFFFFC000  }
0x25: {  	[tilespmem:s8], [sflag:$0x1] =	stream.linear.gather [hbm4b:s7+s3], $0x80, $0x38;
	[tilespmem:$0x8080] =	vst v63  }
0x26: {  	_ =	swait.ge [sflag:s4], $0x80  }
0x27: {  	[sflag:s4] =	ssyncset.done $0x0  }
0x28: {  	[sflag:s4] =	ssyncadd.s32 $0xFFFFFF80  }
0x29: {  	[bflag:$0x0] =	sbarrier.arrive $0xFFFF  }
0x2a: {  	[spmem:s2] =	stream.indirect.scatter.add.f32 [tilespmem:s3], [sflag:$0x1], $0x80, s8, s9, $0xb8;
	[tilespmem:$0x8080] =	vst v63  }
0x2b: {  	_ =	swait.ge [sflag:s4], $0x4000  }
0x2c: {  	[sflag:s4] =	ssyncset.done $0x0  }
.Ltmp1:
0x2d: {  	[sflag:s4] =	ssyncadd.s32 $0xFFFFC000;
	(pc) =	sbr.rel @p0 .LBB2_1-.Ltmp1, $4  }
0x2e: {  	[bflag:$0x0] =	sbarrier.arrive $0xFFFF  }
0x2f: {  	[hbm:s10], [sflag:s11] =	dma.local [spmem:s12], $0x800  }
0x30: {  	_ =	swait.ge [sflag:s4], $0x800  }
0x31: {  	[sflag:s4] =	ssyncset.done $0x0  }
.LBB2_2:
0x32: {  	[sflag:s4] =	ssyncadd.s32 $0xFFFFF800  }
0x33: {  	_ =	sfence.sel $0x180000  }
0x34: {  	[bflag:$0x0] =	sbarrier.arrive $0xFFFF  }
0x35: {  	p0 =	sne.s32 s1, $0x0;
	_ =	strace $0x9000004A  }
0x36: {  	s0 =	sadd.s32 @!p0 $0x100000, s0;
	[bflag:$0x2] =	sbarrier.arrive $0xFFFF  }
0x37: {  	[sflag:s0] =	ssyncadd.tile.s32 @!p0 $0x1;
	_ =	shalt  }
.Lfunc_end2:
_tile_overlayer_lowered:
.L_overlay_start_2:
0x38: {  	(tag) =	ssettag $0x2  }
0x39: {  	s0 =	rddreg [dreg:$0x0];
	s2 =	stileid.u32  }
0x3a: {  	s1 =	rddreg [dreg:$0x1];
	p0 =	sne.s32 s2, $0x0  }
0x3b: {  	s3 =	rddreg [dreg:$0x2];
	[bflag:$0x3] =	sbarrier.arrive $0xFFFF;
	s2 =	simm.s32 @!p0 $0x1C01  }
0x3c: {  	[timem:s3], [sflag:s2] =	dma.local @!p0 [hbm:s0], s1  }
0x3d: {  	s0 =	simm.s32 @!p0 $0x1  }
0x3e: {  	_ =	swait.ge @!p0 [sflag:s0], s1  }
0x3f: {  	s1 =	ssub.s32 @!p0 $0x0, s1;
	[sflag:s0] =	ssyncset.done @!p0 $0x0  }
0x40: {  	[sflag:s0] =	ssyncadd.s32 @!p0 s1  }
0x41: {  	[bflag:$0x3] =	sbarrier.arrive $0xFFFF  }
0x42: {  	_ =	shalt  }

// kernel: kernel.7.cloned.1.call-start
scs
__scs_entry_jumppad:
0x0: {  	(pc) =	sbr.rel $0x88, $3  }
0x1: {  	(tag) =	ssettag $0x0;
	lr =	simm.s32 $0x1  }
0x2: {  	[smem:$0x3F8A] =	sst lr;
	_ =	strace $0xD0000000  }
0x3: {  	_ = 	snop  }
0x4: {  	_ = 	snop  }
0x5: {  	_ = 	snop  }
0x6: {  	_ = 	snop  }
0x7: {  	_ = 	snop  }
__scs_overlays_trampoline_lowered:
0x8: {  	[smem:$0x3F99] =	sst s0  }
0x9: {  	[smem:$0x3F9A] =	sst s1  }
0xa: {  	[smem:$0x3F9B] =	sst s2  }
0xb: {  	[smem:$0x3F9C] =	sst s3  }
0xc: {  	[smem:$0x3F9D] =	sst s4  }
0xd: {  	[smem:$0x3F9E] =	sst s5  }
0xe: {  	[smem:$0x3F9F] =	sst s6  }
0xf: {  	[smem:$0x3FA0] =	sst s7  }
0x10: {  	[smem:$0x3FA1] =	sst s8  }
0x11: {  	[smem:$0x3FA2] =	sst s9;
	s0 =	simm.s32 @!p0 $0x0  }
0x12: {  	s1 =	sld [smem:$0x3F88];
	s0 =	simm.s32 @p0 $0x1  }
0x13: {  	[smem:$0x3FA3] =	sst s0;
	s0 =	simm.s32 @!p1 $0x0  }
0x14: {  	s2 =	sld [smem:$0x3F87];
	s0 =	simm.s32 @p1 $0x1  }
0x15: {  	[smem:$0x3FA4] =	sst s0;
	s0 =	simm.s32 @!p2 $0x0  }
0x16: {  	s3 =	sld [smem:$0x3FDB];
	s0 =	simm.s32 @p2 $0x1  }
0x17: {  	s4 =	simm.s32 $0x1BF5;
	[smem:$0x3FA6] =	sst s0  }
0x18: {  	s0 =	sld [smem:$0x3F89];
	_ =	swait.ge [sflag:s4], $0x0  }
0x19: {  	s7 =	sld [smem:$0x3F8A]  }
0x1a: {  	s8 =	sadd.s32 $0xFFFFE003, lr  }
0x1b: {  	s9 =	sadd.s32 $0xFFFFFEF7, lr;
	s5 =	simm.s32 $0xFFFFFFFF;
	p2 =	slt.u32 s8, $0xFFFFF086  }
0x1c: {  	p1 =	slt.u32 s9, $0xF7A;
	s5 =	simm.s32 @!p2 $0x0  }
0x1d: {  	s5 =	simm.s32 @p1 $0x1;
	p0 =	seq.s32 s7, s2  }
0x1e: {  	s7 =	smul.u32 @!p0 $0xF7A, s2;
	p2 =	seq.s32 @!p0 s5, $0x0  }
0x1f: {  	s9 =	smul.u32 $0xF7A, s1;
	s8 =	simm.s32 @!p0 $0x1BF5;
	p2 =	por !p2, p0  }
0x20: {  	[sflag:s8] =	ssyncset.s32 @!p0 $0xFFFFF086;
	s6 =	sadd.s32 @!p0 s3, s7;
	s7 =	simm.s32 @!p0 $0x108  }
0x21: {  	s3 =	sadd.s32 s3, s9;
	s6 =	sadd.s32 @!p0 $0x88, s6;
	s7 =	simm.s32 @p2 $0x1082  }
0x22: {  	[simem:s7], [sflag:s8] =	dma.local @!p0 [hbm:s6], $0xF7A  }
0x23: {  	s9 =	sor.u32 $0xD0000000, s2;
	s6 =	simm.s32 $0x108;
	_ =	swait.ge @!p0 [sflag:s8], $0x0  }
0x24: {  	s3 =	sadd.s32 $0x88, s3;
	s6 =	simm.s32 @!p1 $0x1082;
	[sflag:s4] =	ssyncset.s32 $0xFFFFF086  }
0x25: {  	[simem:s6], [sflag:s4] =	dma.local [hbm:s3], $0xF7A  }
0x26: {  	[smem:$0x3F8A] =	sst s1;
	(tag) =	ssettag s2;
	_ =	strace s9  }
0x27: {  	s1 =	sld [smem:$0x3F9A]  }
0x28: {  	s2 =	sld [smem:$0x3F9B]  }
0x29: {  	s4 =	sld [smem:$0x3F9D]  }
0x2a: {  	p0 =	seq.s32 s5, $0x0;
	s5 =	sld [smem:$0x3F9E]  }
0x2b: {  	s6 =	sld [smem:$0x3F9F]  }
0x2c: {  	s7 =	sld [smem:$0x3FA0]  }
0x2d: {  	s3 =	simm.s32 $0x108;
	s8 =	sld [smem:$0x3FA1]  }
0x2e: {  	s3 =	simm.s32 @!p0 $0x1082;
	s9 =	sld [smem:$0x3FA2]  }
0x2f: {  	lr =	sadd.s32 s0, s3;
	s0 =	sld [smem:$0x3F99]  }
0x30: {  	s3 =	sld [smem:$0x3F9C]  }
0x31: {  	[smem:$0x3FA5] =	sst s10  }
0x32: {  	s10 =	sld [smem:$0x3FA3];
	_ =	sdelay $0x3  }
0x33: {  	p0 =	seq.s32 s10, $0x1;
	s10 =	sld [smem:$0x3FA5];
	_ =	sdelay $0x3  }
0x34: {  	[smem:$0x3FA5] =	sst s10  }
0x35: {  	s10 =	sld [smem:$0x3FA4];
	_ =	sdelay $0x3  }
0x36: {  	p1 =	seq.s32 s10, $0x1;
	s10 =	sld [smem:$0x3FA5];
	_ =	sdelay $0x3  }
0x37: {  	[smem:$0x3FA5] =	sst s10  }
0x38: {  	s10 =	sld [smem:$0x3FA6]  }
0x39: {  	_ = 	snop;
	(pc) =	sbr.ind lr, $3  }
0x3a: {  	_ = 	snop  }
0x3b: {  	_ = 	snop  }
0x3c: {  	p2 =	seq.s32 s10, $0x1;
	s10 =	sld [smem:$0x3FA5]  }
0x3d: {  	_ =	shalt  }
0x3e: {  	_ =	shalt  }
0x3f: {  	_ =	shalt  }
0x40: {  	_ =	shalt  }
0x41: {  	_ =	shalt  }
0x42: {  	_ =	shalt  }
0x43: {  	_ =	shalt  }
0x44: {  	_ =	shalt  }
0x45: {  	_ =	shalt  }
0x46: {  	_ =	shalt  }
0x47: {  	_ =	shalt  }
0x48: {  	_ =	shalt  }
0x49: {  	_ =	shalt  }
0x4a: {  	_ =	shalt  }
0x4b: {  	_ =	shalt  }
0x4c: {  	_ =	shalt  }
0x4d: {  	_ =	shalt  }
0x4e: {  	_ =	shalt  }
0x4f: {  	_ =	shalt  }
0x50: {  	_ =	shalt  }
0x51: {  	_ =	shalt  }
0x52: {  	_ =	shalt  }
0x53: {  	_ =	shalt  }
0x54: {  	_ =	shalt  }
0x55: {  	_ =	shalt  }
0x56: {  	_ =	shalt  }
0x57: {  	_ =	shalt  }
0x58: {  	_ =	shalt  }
0x59: {  	_ =	shalt  }
0x5a: {  	_ =	shalt  }
0x5b: {  	_ =	shalt  }
0x5c: {  	_ =	shalt  }
0x5d: {  	_ =	shalt  }
0x5e: {  	_ =	shalt  }
0x5f: {  	_ =	shalt  }
0x60: {  	_ =	shalt  }
0x61: {  	_ =	shalt  }
0x62: {  	_ =	shalt  }
0x63: {  	_ =	shalt  }
0x64: {  	_ =	shalt  }
0x65: {  	_ =	shalt  }
0x66: {  	_ =	shalt  }
0x67: {  	_ =	shalt  }
0x68: {  	_ =	shalt  }
0x69: {  	_ =	shalt  }
0x6a: {  	_ =	shalt  }
0x6b: {  	_ =	shalt  }
0x6c: {  	_ =	shalt  }
0x6d: {  	_ =	shalt  }
0x6e: {  	_ =	shalt  }
0x6f: {  	_ =	shalt  }
0x70: {  	_ =	shalt  }
0x71: {  	_ =	shalt  }
0x72: {  	_ =	shalt  }
0x73: {  	_ =	shalt  }
0x74: {  	_ =	shalt  }
0x75: {  	_ =	shalt  }
0x76: {  	_ =	shalt  }
0x77: {  	_ =	shalt  }
0x78: {  	_ =	shalt  }
0x79: {  	_ =	shalt  }
0x7a: {  	_ =	shalt  }
0x7b: {  	_ =	shalt  }
0x7c: {  	_ =	shalt  }
0x7d: {  	_ =	shalt  }
0x7e: {  	_ =	shalt  }
0x7f: {  	_ =	shalt  }
0x80: {  	_ =	shalt  }
0x81: {  	_ =	shalt  }
0x82: {  	_ =	shalt  }
0x83: {  	_ =	shalt  }
0x84: {  	_ =	shalt  }
0x85: {  	_ =	shalt  }
0x86: {  	_ =	shalt  }
0x87: {  	_ =	shalt  }
.Lfunc_end0:
.L_simem_size_0:
called_computation_lowered:
.L_overlay_start_0:
0x88: {  	s2 =	sld [smem:$0x3FD9]  }
0x89: {  	s3 =	sld [smem:$0x3FFE];
	_ =	sdelay $0x1  }
0x8a: {  	s1 =	srdreg.scid  }
0x8b: {  	s0 =	sand.u32 $0x1, s1  }
0x8c: {  	s17 =	sshll.u32 s0, $0xA;
	s2 =	sadd.s32 s3, s2  }
0x8d: {  	s2 =	sadd.s32 s2, s17  }
0x8e: {  	[smem:$0x3FB1] =	sst s2  }
0x8f: {  	_ = 	snop  }
0x90: {  	s2 =	sld [smem:$0x3FD0];
	(tm) =	ssettm $0x1  }
0x91: {  	s18 =	sld [smem:$0x3FFB];
	_ =	sdelay $0x3  }
0x92: {  	_ =	strace s18  }
0x93: {  	s3 =	sld [smem:$0x3FFC];
	_ =	sdelay $0x3  }
0x94: {  	_ =	strace s3  }
0x95: {  	s3 =	sld [smem:$0x3FFD];
	_ =	sdelay $0x3  }
0x96: {  	_ =	strace s3  }
0x97: {  	_ =	strace $0x8FFFFFFF  }
0x98: {  	s19 =	sld [smem:$0x3FDB];
	_ =	sdelay $0x1  }
0x99: {  	s4 =	simm.s32 $_scs_section_size  }
0x9a: {  	s5 =	simm.s32 $_size__tile_overlayer_lowered;
	s6 =	simm.s32 $_tile_overlayer_lowered  }
0x9b: {  	s22 =	simm.s32 $0x1BFF;
	s21 =	sshll.u32 s6, $0x1;
	s3 =	sadd.s32 s4, s19  }
0x9c: {  	s7 =	simm.s32 $0x0;
	s20 =	sshll.u32 s5, $0x1;
	s5 =	sadd.s32 s21, s3  }
0x9d: {  	[timem:s7], [sflag:s22] =	dma.local [hbm:s5], s20  }
0x9e: {  	_ =	swait.ge [sflag:s22], s20  }
0x9f: {  	s4 =	ssub.s32 $0x0, s20;
	[sflag:s22] =	ssyncset.done $0x0  }
0xa0: {  	[sflag:s22] =	ssyncadd.s32 s4;
	_ =	sdelay $0x1  }
0xa1: {  	s23 =	simm.s32 $0x1B8B  }
0xa2: {  	_ =	swait.ge [sflag:s23], $0x1  }
0xa3: {  	[sflag:s23] =	ssyncset.done $0x0  }
0xa4: {  	s25 =	simm.s32 $0x1B8E;
	s24 =	sld [smem:$0x3FFE];
	[sflag:s23] =	ssyncadd.s32 $0xFFFFFFFF  }
0xa5: {  	s26 =	simm.s32 $execute0_lowered;
	[smem:$0x3FD2] =	sst s25  }
0xa6: {  	s5 =	sshll.u32 s26, $0x1;
	_ =	strace $0x80000046;
	[dreg:$0x1] =	wrdreg $0xFFFFFFFF  }
0xa7: {  	s28 =	simm.s32 $_size_execute0_lowered;
	s3 =	sadd.s32 s3, s5;
	[dreg:$0x0] =	wrdreg $0x0  }
0xa8: {  	s5 =	sshll.u32 s28, $0x1;
	[dreg:$0x2] =	wrdreg s3  }
0xa9: {  	[dreg:$0x3] =	wrdreg s5  }
0xaa: {  	[dreg:$0x4] =	wrdreg $0xC0  }
0xab: {  	_ =	task [dreg:s7], $0x5FFFF  }
0xac: {  	[dreg:$0x1] =	wrdreg $0xFFFFFFFF  }
0xad: {  	[dreg:$0x0] =	wrdreg $0x60  }
0xae: {  	[dreg:$0x2] =	wrdreg s24  }
0xaf: {  	[dreg:$0x3] =	wrdreg s2  }
0xb0: {  	[dreg:$0x4] =	wrdreg $0x40800  }
0xb1: {  	[dreg:$0x5] =	wrdreg $0x9  }
0xb2: {  	_ =	task.clear_ibuf [dreg:s7], $0x6FFFF;
	_ =	strace $0x90000046  }
0xb3: {  	s29 =	simm.s32 $0x9;
	_ =	strace $0x80000048  }
0xb4: {  	_ =	swait.ge [sflag:s29], $0x1  }
0xb5: {  	[sflag:s29] =	ssyncadd.s32 $0xFFFFFFFF  }
0xb6: {  	_ =	strace $0x90000048  }
0xb7: {  	_ =	sfence  }
0xb8: {  	s30 =	sld [smem:$0x0];
	_ =	sdelay $0x2  }
0xb9: {  	s31 =	sshll.u32 s1, $0xD;
	s1 =	sshrl.u32 s1, $0x2  }
0xba: {  	s3 =	sand.u32 $0x4000, s31;
	s1 =	sadd.s32 s1, s30  }
0xbb: {  	s0 =	sor.u32 s3, s0;
	s1 =	sshll.u32 s1, $0x11  }
0xbc: {  	s0 =	sor.u32 s1, s0  }
0xbd: {  	s0 =	sadd.s32 $0x8F2B, s0  }
0xbe: {  	[sflag:s0] =	ssyncadd.remote.s32 $0x1  }
0xbf: {  	_ =	sfence.sel $0xFFFF  }
0xc0: {  	[dreg:$0x0] =	wrdreg $0xFFFFFFFF;
	(pc) =	sbr.abs _section_cstart, $3  }
0xc1: {  	[dreg:$0x1] =	wrdreg $0xFFFFFFFF  }
0xc2: {  	_ =	task.clear_ibuf [dreg:s7], $0x2FFFF;
	_ =	strace $0x9FFFFFFF  }
0xc3: {  	(tm) =	ssettm $0x7FFFFFFF  }
tec
execute0_lowered:
.L_overlay_start_1:
0x0: {  	(tag) =	ssettag $0x1  }
0x1: {  	s7 =	rddreg [dreg:$0x0]  }
0x2: {  	s9 =	rddreg [dreg:$0x1]  }
0x3: {  	s2 =	rddreg [dreg:$0x2];
	s1 =	stileid.u32  }
0x4: {  	s0 =	rddreg [dreg:$0x3];
	s3 =	simm.s32 $0x0;
	s10 =	sshll.u32 s1, $0xB  }
0x5: {  	[smem:$0x7FF] =	sst s3;
	s4 =	sadd.s32 s10, s7  }
0x6: {  	_ =	strace $0x80000047;
	s5 =	sadd.s32 $0x4800, s4;
	s4 =	simm.s32 $0x1  }
0x7: {  	[tilespmem:s3], [sflag:$0x1] =	stream.linear.gather [hbm4b:s5+s3], $0x4000, $0x38;
	[tilespmem:$0x8080] =	vst v63  }
0x8: {  	s6 =	srdreg.scid;
	_ =	swait.ge [sflag:s4], $0x4000  }
0x9: {  	s8 =	sshll.u32 s1, $0x4;
	s11 =	sshll.u32 s1, $0xE;
	[sflag:s4] =	ssyncset.done $0x0  }
0xa: {  	s12 =	sand.u32 $0x1, s6;
	s6 =	sadd.s32 s11, s2;
	[sflag:s4] =	ssyncadd.s32 $0xFFFFC000  }
0xb: {  	[spmem:s6] =	stream.linear.scatter [tilespmem:s3], [sflag:$0x1], $0x4000, $0x38;
	[tilespmem:$0x8080] =	vst v63  }
0xc: {  	s7 =	sadd.s32 s8, s7;
	s29 =	sshll.u32 s12, $0x8;
	_ =	swait.ge [sflag:s4], $0x4000  }
0xd: {  	s7 =	sadd.s32 s29, s7;
	[sflag:s4] =	ssyncset.done $0x0  }
0xe: {  	s8 =	simm.s32 $0x4000;
	s7 =	sadd.s32 $0xC800, s7;
	[sflag:s4] =	ssyncadd.s32 $0xFFFFC000  }
0xf: {  	[tilespmem:s8], [sflag:$0x1] =	stream.linear.gather [hbm4b:s7+s3], $0x80, $0x38;
	[tilespmem:$0x8080] =	vst v63  }
0x10: {  	_ =	swait.ge [sflag:s4], $0x80  }
0x11: {  	s30 =	ssub.s32 $0x2, s12;
	[sflag:s4] =	ssyncset.done $0x0  }
0x12: {  	s10 =	sadd.s32 s9, s10;
	s13 =	sshrl.u32 s30, $0x1;
	[sflag:s4] =	ssyncadd.s32 $0xFFFFFF80  }
0x13: {  	s9 =	simm.s32 $0x80;
	s11 =	ssub.s32 s30, s13;
	[bflag:$0x0] =	sbarrier.arrive $0xFFFF  }
0x14: {  	[spmem:s2] =	stream.indirect.scatter.add.f32 [tilespmem:s3], [sflag:$0x1], $0x80, s8, s9, $0xb8;
	[tilespmem:$0x8080] =	vst v63  }
0x15: {  	s31 =	sshll.u32 s1, $0x6;
	s13 =	smax.u32 s11, $0x1;
	_ =	swait.ge [sflag:s4], $0x4000  }
0x16: {  	s12 =	sshll.u32 s12, $0xF;
	p0 =	sne.s32 s13, $0x1;
	[sflag:s4] =	ssyncset.done $0x0  }
.Ltmp0:
0x17: {  	s10 =	sadd.s32 s12, s10;
	[sflag:s4] =	ssyncadd.s32 $0xFFFFC000;
	(pc) =	sbr.rel @!p0 .LBB2_2-.Ltmp0, $4  }
0x18: {  	s12 =	sshrl.u32 s6, $0x3;
	s11 =	sor.u32 $0x1C01, s31;
	[bflag:$0x0] =	sbarrier.arrive $0xFFFF  }
0x19: {  	[hbm:s10], [sflag:s11] =	dma.local [spmem:s12], $0x800  }
0x1a: {  	_ =	swait.ge [sflag:s4], $0x800  }
0x1b: {  	s13 =	sadd.s32 $0xFFFFFFFF, s13;
	[sflag:s4] =	ssyncset.done $0x0  }
.LBB2_1:
0x1c: {  	p0 =	sne.s32 s13, $0x1;
	s13 =	sadd.s32 $0xFFFFFFFF, s13;
	[sflag:s4] =	ssyncadd.s32 $0xFFFFF800  }
0x1d: {  	[tilespmem:s3], [sflag:$0x1] =	stream.linear.gather [hbm4b:s5+s3], $0x4000, $0x38;
	[tilespmem:$0x8080] =	vst v63  }
0x1e: {  	_ =	swait.ge [sflag:s4], $0x4000  }
0x1f: {  	[sflag:s4] =	ssyncset.done $0x0  }
0x20: {  	[sflag:s4] =	ssyncadd.s32 $0xFFFFC000  }
0x21: {  	[spmem:s6] =	stream.linear.scatter [tilespmem:s3], [sflag:$0x1], $0x4000, $0x38;
	[tilespmem:$0x8080] =	vst v63  }
0x22: {  	_ =	swait.ge [sflag:s4], $0x4000  }
0x23: {  	[sflag:s4] =	ssyncset.done $0x0  }
0x24: {  	[sflag:s4] =	ssyncadd.s32 $0xFFFFC000  }
0x25: {  	[tilespmem:s8], [sflag:$0x1] =	stream.linear.gather [hbm4b:s7+s3], $0x80, $0x38;
	[tilespmem:$0x8080] =	vst v63  }
0x26: {  	_ =	swait.ge [sflag:s4], $0x80  }
0x27: {  	[sflag:s4] =	ssyncset.done $0x0  }
0x28: {  	[sflag:s4] =	ssyncadd.s32 $0xFFFFFF80  }
0x29: {  	[bflag:$0x0] =	sbarrier.arrive $0xFFFF  }
0x2a: {  	[spmem:s2] =	stream.indirect.scatter.add.f32 [tilespmem:s3], [sflag:$0x1], $0x80, s8, s9, $0xb8;
	[tilespmem:$0x8080] =	vst v63  }
0x2b: {  	_ =	swait.ge [sflag:s4], $0x4000  }
0x2c: {  	[sflag:s4] =	ssyncset.done $0x0  }
.Ltmp1:
0x2d: {  	[sflag:s4] =	ssyncadd.s32 $0xFFFFC000;
	(pc) =	sbr.rel @p0 .LBB2_1-.Ltmp1, $4  }
0x2e: {  	[bflag:$0x0] =	sbarrier.arrive $0xFFFF  }
0x2f: {  	[hbm:s10], [sflag:s11] =	dma.local [spmem:s12], $0x800  }
0x30: {  	_ =	swait.ge [sflag:s4], $0x800  }
0x31: {  	[sflag:s4] =	ssyncset.done $0x0  }
.LBB2_2:
0x32: {  	[sflag:s4] =	ssyncadd.s32 $0xFFFFF800  }
0x33: {  	_ =	sfence.sel $0x180000  }
0x34: {  	[bflag:$0x0] =	sbarrier.arrive $0xFFFF  }
0x35: {  	p0 =	sne.s32 s1, $0x0;
	_ =	strace $0x90000047  }
0x36: {  	s0 =	sadd.s32 @!p0 $0x100000, s0;
	[bflag:$0x2] =	sbarrier.arrive $0xFFFF  }
0x37: {  	[sflag:s0] =	ssyncadd.tile.s32 @!p0 $0x1;
	_ =	shalt  }
.Lfunc_end2:
_tile_overlayer_lowered:
.L_overlay_start_2:
0x38: {  	(tag) =	ssettag $0x2  }
0x39: {  	s0 =	rddreg [dreg:$0x0];
	s2 =	stileid.u32  }
0x3a: {  	s1 =	rddreg [dreg:$0x1];
	p0 =	sne.s32 s2, $0x0  }
0x3b: {  	s3 =	rddreg [dreg:$0x2];
	[bflag:$0x3] =	sbarrier.arrive $0xFFFF;
	s2 =	simm.s32 @!p0 $0x1C01  }
0x3c: {  	[timem:s3], [sflag:s2] =	dma.local @!p0 [hbm:s0], s1  }
0x3d: {  	s0 =	simm.s32 @!p0 $0x1  }
0x3e: {  	_ =	swait.ge @!p0 [sflag:s0], s1  }
0x3f: {  	s1 =	ssub.s32 @!p0 $0x0, s1;
	[sflag:s0] =	ssyncset.done @!p0 $0x0  }
0x40: {  	[sflag:s0] =	ssyncadd.s32 @!p0 s1  }
0x41: {  	[bflag:$0x3] =	sbarrier.arrive $0xFFFF  }
0x42: {  	_ =	shalt  }

</sc_bundles>
